<compile_context>
chip_gen: v7x
topology: tpu7x:2x2x1
jax: 0.10.2.dev20260603
libtpu: 0.0.44.dev20260713+nightly
codegen_flags: <defaults>
</compile_context>

<pallas_src>
import jax
import jax.numpy as jnp
import numpy as np
from jax import lax
from jax.experimental import pallas as pl
from jax.experimental.pallas import tpu as pltpu
from jax.experimental.pallas import tpu_sc as plsc

VOCAB_ = 1000000
EMBED_ = 64
BATCH_ = 4096
SEQ_ = 200

NC = 2
NS = 16
LANES = 16
NW = NC * NS

N_ROWS = BATCH_ * SEQ_
PER_W = N_ROWS // NW
CHUNK = 2 * SEQ_
N_CHUNKS = PER_W // CHUNK
SEQS_PER_CHUNK = CHUNK // SEQ_
NBUF = 4
assert N_CHUNKS % NBUF == 0


def _pos_encoding():
    position = np.arange(SEQ_, dtype=np.float32)[:, None]
    div_term = np.exp(
        np.arange(0, EMBED_, 2, dtype=np.float32) * (-np.log(10000.0) / EMBED_)
    )
    pe = np.zeros((SEQ_, EMBED_), dtype=np.float32)
    pe[:, 0::2] = np.sin(position * div_term)
    pe[:, 1::2] = np.cos(position * div_term)
    return jnp.asarray(pe)


def _sc_body(x_hbm, pe_hbm, table_hbm, out_hbm, idx_v, rows_v, pe_v,
             gsem, osem, isem):
    wid = lax.axis_index("s") * NC + lax.axis_index("c")
    base = wid * PER_W

    pltpu.sync_copy(pe_hbm, pe_v)

    for b in range(NBUF):
        off = base + b * CHUNK
        pltpu.sync_copy(x_hbm.at[pl.ds(off, CHUNK)], idx_v.at[b])
        pltpu.async_copy(table_hbm.at[idx_v.at[b]], rows_v.at[b], gsem.at[b])

    @pl.loop(0, N_CHUNKS, step=NBUF)
    def _ring(g):
        for b in range(NBUF):
            gg = g + b
            pltpu.make_async_copy(
                table_hbm.at[idx_v.at[b]], rows_v.at[b], gsem.at[b]
            ).wait()

            @pl.when(gg + NBUF < N_CHUNKS)
            def _prefetch_idx():
                pltpu.async_copy(
                    x_hbm.at[pl.ds(base + (gg + NBUF) * CHUNK, CHUNK)],
                    idx_v.at[b], isem.at[b]
                )

            @pl.loop(0, SEQ_)
            def _pos(p):
                for v in range(EMBED_ // LANES):
                    pv = pe_v[p, pl.ds(v * LANES, LANES)]
                    for k in range(SEQS_PER_CHUNK):
                        r = p + k * SEQ_
                        rows_v[b, r, pl.ds(v * LANES, LANES)] = (
                            rows_v[b, r, pl.ds(v * LANES, LANES)] + pv
                        )

            pltpu.async_copy(
                rows_v.at[b], out_hbm.at[pl.ds(base + gg * CHUNK, CHUNK)],
                osem.at[b]
            )

            pb = (b - 1) % NBUF
            pgg = gg - 1 + NBUF

            @pl.when(jnp.logical_and(pgg >= NBUF, pgg < N_CHUNKS))
            def _refill():
                pltpu.make_async_copy(
                    rows_v.at[pb],
                    out_hbm.at[pl.ds(base + (pgg - NBUF) * CHUNK, CHUNK)],
                    osem.at[pb],
                ).wait()
                pltpu.make_async_copy(
                    x_hbm.at[pl.ds(0, CHUNK)], idx_v.at[pb], isem.at[pb]
                ).wait()
                pltpu.async_copy(
                    table_hbm.at[idx_v.at[pb]], rows_v.at[pb], gsem.at[pb]
                )

    for gg in range(N_CHUNKS - NBUF, N_CHUNKS):
        b = gg % NBUF
        pltpu.make_async_copy(
            rows_v.at[b], out_hbm.at[pl.ds(base + gg * CHUNK, CHUNK)], osem.at[b]
        ).wait()


@jax.jit
def _embed(x, table, pe):
    xf = x.reshape(N_ROWS).astype(jnp.int32)
    mesh = plsc.VectorSubcoreMesh(core_axis_name="c", subcore_axis_name="s")
    out = pl.kernel(
        _sc_body,
        out_type=jax.ShapeDtypeStruct((N_ROWS, EMBED_), jnp.float32),
        mesh=mesh,
        scratch_types=[
            pltpu.VMEM((NBUF, CHUNK), jnp.int32),
            pltpu.VMEM((NBUF, CHUNK, EMBED_), jnp.float32),
            pltpu.VMEM((SEQ_, EMBED_), jnp.float32),
            pltpu.SemaphoreType.DMA((NBUF,)),
            pltpu.SemaphoreType.DMA((NBUF,)),
            pltpu.SemaphoreType.DMA((NBUF,)),
        ],
        compiler_params=pltpu.CompilerParams(
            use_tc_tiling_on_sc=False, needs_layout_passes=False
        ),
    )(xf, pe, table)
    return out.reshape(BATCH_, SEQ_, EMBED_)


def kernel(x, table):
    return _embed(x, table, _pos_encoding())

# --- scband reference (transcript-rebuilt; emitter-appended) ---
"""Pipeline reference for scband-embedding-layer-55516747268737 (READ-ONLY COPY).

The authoritative reference and input builder live on the scoring server;
editing this copy changes nothing except your own understanding.
"""

import jax, jax.numpy as jnp
import numpy as np

VOCAB = 1000000
EMBED = 64
BATCH = 4096
SEQ = 200


def _sinusoidal_pe(seq_len, d_model):
    position = jnp.arange(seq_len, dtype=jnp.float32)[:, None]
    div_term = jnp.exp(jnp.arange(0, d_model, 2, dtype=jnp.float32) * (-np.log(10000.0) / d_model))
    pe = jnp.zeros((seq_len, d_model), dtype=jnp.float32)
    pe = pe.at[:, 0::2].set(jnp.sin(position * div_term))
    pe = pe.at[:, 1::2].set(jnp.cos(position * div_term))
    return pe


def setup_inputs(seed: int = 0) -> dict:
    key = jax.random.key(seed)
    k1, k2 = jax.random.split(key)
    x = jax.random.randint(k1, (BATCH, SEQ), 0, VOCAB, dtype=jnp.int64)
    # nn.Embedding default init: N(0, 1)
    table = jax.random.normal(k2, (VOCAB, EMBED), dtype=jnp.float32)
    return {"x": x, "table": table}


def reference(x, table):
    # token embedding: gather rows of the table
    token_embed = jnp.take(table, x, axis=0)  # [B, S, E]
    # positional encoding (sinusoidal, derived from sequence positions of x)
    pe = _sinusoidal_pe(x.shape[1], table.shape[1])  # [S, E]
    position_embed = jnp.broadcast_to(pe[None, :, :], token_embed.shape)
    return token_embed + position_embed

if __name__ == "__main__":
    import jax
    _d = setup_inputs()
    print(jax.jit(kernel)(*tuple(_d.values())))

</pallas_src>

<mosaic_0001>
#map = affine_map<(d0, d1) -> (0)>
#map1 = affine_map<(d0, d1) -> (0, 0)>
module attributes {stable_mosaic.version = 14 : i64} {
  func.func @_sc_body(%arg0: i32, %arg1: i32, %arg2: memref<819200xi32, #tpu.memory_space<hbm>>, %arg3: memref<200x64xf32, #tpu.memory_space<hbm>>, %arg4: memref<1000000x64xf32, #tpu.memory_space<hbm>>, %arg5: memref<819200x64xf32, #tpu.memory_space<hbm>>, %arg6: memref<4x400xi32, #tpu.memory_space<vmem>>, %arg7: memref<4x400x64xf32, #tpu.memory_space<vmem>>, %arg8: memref<200x64xf32, #tpu.memory_space<vmem>>, %arg9: memref<4x!tpu.dma_semaphore, #tpu.memory_space<semaphore_mem>>, %arg10: memref<4x!tpu.dma_semaphore, #tpu.memory_space<semaphore_mem>>, %arg11: memref<4x!tpu.dma_semaphore, #tpu.memory_space<semaphore_mem>>) attributes {dimension_semantics = [#tpu.dimension_semantics<core_parallel>, #tpu.dimension_semantics<subcore_parallel>], iteration_bounds = array<i64: 2, 16>, scalar_prefetch = 0 : i64, scratch_operands = 6 : i64, tpu.core_type = #tpu.core_type<sc_vector_subcore>, window_params = [{transform_indices = #map}, {transform_indices = #map1}, {transform_indices = #map1}, {transform_indices = #map1}]} {
    %mul3A = arith.constant 2 : i32
    %mul3A_0 = arith.muli %arg1, %mul3A : i32
    %add3A = arith.addi %mul3A_0, %arg0 : i32
    %mul3A_1 = arith.constant 25600 : i32
    %mul3A_2 = arith.muli %add3A, %mul3A_1 : i32
    "tpu.region"() ({
      %run_scoped3A_148 = tpu.sem_alloc : memref<!tpu.dma_semaphore, #tpu.memory_space<semaphore_mem>>
      tpu.enqueue_dma source(%arg3 : memref<200x64xf32, #tpu.memory_space<hbm>>) target(%arg8 : memref<200x64xf32, #tpu.memory_space<vmem>>) target_semaphore(%run_scoped3A_148 : memref<!tpu.dma_semaphore, #tpu.memory_space<semaphore_mem>>)
      tpu.wait_dma2 semaphore(%run_scoped3A_148 : memref<!tpu.dma_semaphore, #tpu.memory_space<semaphore_mem>>) src(%arg3 : memref<200x64xf32, #tpu.memory_space<hbm>>) dst(%arg8 : memref<200x64xf32, #tpu.memory_space<vmem>>)
      tpu.yield
    }) : () -> ()
    %add3A_3 = arith.constant 0 : i32
    %add3A_4 = arith.addi %mul3A_2, %add3A_3 : i32
    %run_scoped3A = arith.constant 0 : i32
    "tpu.region"() ({
      %run_scoped3A_148 = tpu.sem_alloc : memref<!tpu.dma_semaphore, #tpu.memory_space<semaphore_mem>>
      %dma_start3A_149 = arith.constant 0 : i32
      %dma_start3A_150 = tpu.memref_slice %arg6[%run_scoped3A, %dma_start3A_149] : memref<4x400xi32, #tpu.memory_space<vmem>> -> memref<1x400xi32, #tpu.memory_space<vmem>>
      %dma_start3A_151 = tpu.memref_squeeze %dma_start3A_150 : memref<1x400xi32, #tpu.memory_space<vmem>> -> memref<400xi32, #tpu.memory_space<vmem>>
      %dma_start3A_152 = tpu.memref_slice %arg2[%add3A_4] : memref<819200xi32, #tpu.memory_space<hbm>> -> memref<400xi32, #tpu.memory_space<hbm>>
      %dma_start3A_153 = arith.constant 0 : i32
      %dma_start3A_154 = tpu.memref_slice %arg6[%run_scoped3A, %dma_start3A_153] : memref<4x400xi32, #tpu.memory_space<vmem>> -> memref<1x400xi32, #tpu.memory_space<vmem>>
      %dma_start3A_155 = tpu.memref_squeeze %dma_start3A_154 : memref<1x400xi32, #tpu.memory_space<vmem>> -> memref<400xi32, #tpu.memory_space<vmem>>
      %dma_start3A_156 = tpu.memref_slice %arg2[%add3A_4] : memref<819200xi32, #tpu.memory_space<hbm>> -> memref<400xi32, #tpu.memory_space<hbm>>
      tpu.enqueue_dma source(%dma_start3A_156 : memref<400xi32, #tpu.memory_space<hbm>>) target(%dma_start3A_155 : memref<400xi32, #tpu.memory_space<vmem>>) target_semaphore(%run_scoped3A_148 : memref<!tpu.dma_semaphore, #tpu.memory_space<semaphore_mem>>)
      %dma_wait3A_157 = arith.constant 0 : i32
      %dma_wait3A_158 = tpu.memref_slice %arg6[%run_scoped3A, %dma_wait3A_157] : memref<4x400xi32, #tpu.memory_space<vmem>> -> memref<1x400xi32, #tpu.memory_space<vmem>>
      %dma_wait3A_159 = tpu.memref_squeeze %dma_wait3A_158 : memref<1x400xi32, #tpu.memory_space<vmem>> -> memref<400xi32, #tpu.memory_space<vmem>>
      %dma_wait3A_160 = tpu.memref_slice %arg2[%add3A_4] : memref<819200xi32, #tpu.memory_space<hbm>> -> memref<400xi32, #tpu.memory_space<hbm>>
      %dma_wait3A_161 = arith.constant 0 : i32
      %dma_wait3A_162 = tpu.memref_slice %arg6[%run_scoped3A, %dma_wait3A_161] : memref<4x400xi32, #tpu.memory_space<vmem>> -> memref<1x400xi32, #tpu.memory_space<vmem>>
      %dma_wait3A_163 = tpu.memref_squeeze %dma_wait3A_162 : memref<1x400xi32, #tpu.memory_space<vmem>> -> memref<400xi32, #tpu.memory_space<vmem>>
      %dma_wait3A_164 = tpu.memref_slice %arg2[%add3A_4] : memref<819200xi32, #tpu.memory_space<hbm>> -> memref<400xi32, #tpu.memory_space<hbm>>
      tpu.wait_dma2 semaphore(%run_scoped3A_148 : memref<!tpu.dma_semaphore, #tpu.memory_space<semaphore_mem>>) src(%dma_wait3A_164 : memref<400xi32, #tpu.memory_space<hbm>>) dst(%dma_wait3A_163 : memref<400xi32, #tpu.memory_space<vmem>>)
      tpu.yield
    }) : () -> ()
    %dma_start3A = arith.constant 0 : i32
    %dma_start3A_5 = arith.constant 0 : i32
    %dma_start3A_6 = arith.constant 0 : i32
    %dma_start3A_7 = arith.constant 0 : i32
    %dma_start3A_8 = arith.constant 0 : i32
    %dma_start3A_9 = tpu.memref_slice %arg7[%dma_start3A_5, %dma_start3A_7, %dma_start3A_8] : memref<4x400x64xf32, #tpu.memory_space<vmem>> -> memref<1x400x64xf32, #tpu.memory_space<vmem>>
    %dma_start3A_10 = tpu.memref_squeeze %dma_start3A_9 : memref<1x400x64xf32, #tpu.memory_space<vmem>> -> memref<400x64xf32, #tpu.memory_space<vmem>>
    %dma_start3A_11 = arith.constant 0 : i32
    %dma_start3A_12 = tpu.memref_slice %arg6[%dma_start3A, %dma_start3A_11] : memref<4x400xi32, #tpu.memory_space<vmem>> -> memref<1x400xi32, #tpu.memory_space<vmem>>
    %dma_start3A_13 = tpu.memref_squeeze %dma_start3A_12 : memref<1x400xi32, #tpu.memory_space<vmem>> -> memref<400xi32, #tpu.memory_space<vmem>>
    %dma_start3A_14 = arith.constant 0 : i32
    %dma_start3A_15 = arith.constant 0 : i32
    %dma_start3A_16 = tpu.memref_slice %arg4[%dma_start3A_14, %dma_start3A_15] : memref<1000000x64xf32, #tpu.memory_space<hbm>> -> memref<1000000x64xf32, #tpu.memory_space<hbm>>
    %dma_start3A_17 = tpu.memref_slice %arg9[%dma_start3A_6] : memref<4x!tpu.dma_semaphore, #tpu.memory_space<semaphore_mem>> -> memref<1x!tpu.dma_semaphore, #tpu.memory_space<semaphore_mem>>
    %dma_start3A_18 = tpu.memref_squeeze %dma_start3A_17 : memref<1x!tpu.dma_semaphore, #tpu.memory_space<semaphore_mem>> -> memref<!tpu.dma_semaphore, #tpu.memory_space<semaphore_mem>>
    tpu.enqueue_indirect_dma source(%dma_start3A_16 : memref<1000000x64xf32, #tpu.memory_space<hbm>>) target(%dma_start3A_10 : memref<400x64xf32, #tpu.memory_space<vmem>>) offsets(%dma_start3A_13 : memref<400xi32, #tpu.memory_space<vmem>>) semaphore(%dma_start3A_18 : memref<!tpu.dma_semaphore, #tpu.memory_space<semaphore_mem>>)
    %add3A_19 = arith.constant 400 : i32
    %add3A_20 = arith.addi %mul3A_2, %add3A_19 : i32
    %run_scoped3A_21 = arith.constant 1 : i32
    "tpu.region"() ({
      %run_scoped3A_148 = tpu.sem_alloc : memref<!tpu.dma_semaphore, #tpu.memory_space<semaphore_mem>>
      %dma_start3A_149 = arith.constant 0 : i32
      %dma_start3A_150 = tpu.memref_slice %arg6[%run_scoped3A_21, %dma_start3A_149] : memref<4x400xi32, #tpu.memory_space<vmem>> -> memref<1x400xi32, #tpu.memory_space<vmem>>
      %dma_start3A_151 = tpu.memref_squeeze %dma_start3A_150 : memref<1x400xi32, #tpu.memory_space<vmem>> -> memref<400xi32, #tpu.memory_space<vmem>>
      %dma_start3A_152 = tpu.memref_slice %arg2[%add3A_20] : memref<819200xi32, #tpu.memory_space<hbm>> -> memref<400xi32, #tpu.memory_space<hbm>>
      %dma_start3A_153 = arith.constant 0 : i32
      %dma_start3A_154 = tpu.memref_slice %arg6[%run_scoped3A_21, %dma_start3A_153] : memref<4x400xi32, #tpu.memory_space<vmem>> -> memref<1x400xi32, #tpu.memory_space<vmem>>
      %dma_start3A_155 = tpu.memref_squeeze %dma_start3A_154 : memref<1x400xi32, #tpu.memory_space<vmem>> -> memref<400xi32, #tpu.memory_space<vmem>>
      %dma_start3A_156 = tpu.memref_slice %arg2[%add3A_20] : memref<819200xi32, #tpu.memory_space<hbm>> -> memref<400xi32, #tpu.memory_space<hbm>>
      tpu.enqueue_dma source(%dma_start3A_156 : memref<400xi32, #tpu.memory_space<hbm>>) target(%dma_start3A_155 : memref<400xi32, #tpu.memory_space<vmem>>) target_semaphore(%run_scoped3A_148 : memref<!tpu.dma_semaphore, #tpu.memory_space<semaphore_mem>>)
      %dma_wait3A_157 = arith.constant 0 : i32
      %dma_wait3A_158 = tpu.memref_slice %arg6[%run_scoped3A_21, %dma_wait3A_157] : memref<4x400xi32, #tpu.memory_space<vmem>> -> memref<1x400xi32, #tpu.memory_space<vmem>>
      %dma_wait3A_159 = tpu.memref_squeeze %dma_wait3A_158 : memref<1x400xi32, #tpu.memory_space<vmem>> -> memref<400xi32, #tpu.memory_space<vmem>>
      %dma_wait3A_160 = tpu.memref_slice %arg2[%add3A_20] : memref<819200xi32, #tpu.memory_space<hbm>> -> memref<400xi32, #tpu.memory_space<hbm>>
      %dma_wait3A_161 = arith.constant 0 : i32
      %dma_wait3A_162 = tpu.memref_slice %arg6[%run_scoped3A_21, %dma_wait3A_161] : memref<4x400xi32, #tpu.memory_space<vmem>> -> memref<1x400xi32, #tpu.memory_space<vmem>>
      %dma_wait3A_163 = tpu.memref_squeeze %dma_wait3A_162 : memref<1x400xi32, #tpu.memory_space<vmem>> -> memref<400xi32, #tpu.memory_space<vmem>>
      %dma_wait3A_164 = tpu.memref_slice %arg2[%add3A_20] : memref<819200xi32, #tpu.memory_space<hbm>> -> memref<400xi32, #tpu.memory_space<hbm>>
      tpu.wait_dma2 semaphore(%run_scoped3A_148 : memref<!tpu.dma_semaphore, #tpu.memory_space<semaphore_mem>>) src(%dma_wait3A_164 : memref<400xi32, #tpu.memory_space<hbm>>) dst(%dma_wait3A_163 : memref<400xi32, #tpu.memory_space<vmem>>)
      tpu.yield
    }) : () -> ()
    %dma_start3A_22 = arith.constant 1 : i32
    %dma_start3A_23 = arith.constant 1 : i32
    %dma_start3A_24 = arith.constant 1 : i32
    %dma_start3A_25 = arith.constant 0 : i32
    %dma_start3A_26 = arith.constant 0 : i32
    %dma_start3A_27 = tpu.memref_slice %arg7[%dma_start3A_23, %dma_start3A_25, %dma_start3A_26] : memref<4x400x64xf32, #tpu.memory_space<vmem>> -> memref<1x400x64xf32, #tpu.memory_space<vmem>>
    %dma_start3A_28 = tpu.memref_squeeze %dma_start3A_27 : memref<1x400x64xf32, #tpu.memory_space<vmem>> -> memref<400x64xf32, #tpu.memory_space<vmem>>
    %dma_start3A_29 = arith.constant 0 : i32
    %dma_start3A_30 = tpu.memref_slice %arg6[%dma_start3A_22, %dma_start3A_29] : memref<4x400xi32, #tpu.memory_space<vmem>> -> memref<1x400xi32, #tpu.memory_space<vmem>>
    %dma_start3A_31 = tpu.memref_squeeze %dma_start3A_30 : memref<1x400xi32, #tpu.memory_space<vmem>> -> memref<400xi32, #tpu.memory_space<vmem>>
    %dma_start3A_32 = arith.constant 0 : i32
    %dma_start3A_33 = arith.constant 0 : i32
    %dma_start3A_34 = tpu.memref_slice %arg4[%dma_start3A_32, %dma_start3A_33] : memref<1000000x64xf32, #tpu.memory_space<hbm>> -> memref<1000000x64xf32, #tpu.memory_space<hbm>>
    %dma_start3A_35 = tpu.memref_slice %arg9[%dma_start3A_24] : memref<4x!tpu.dma_semaphore, #tpu.memory_space<semaphore_mem>> -> memref<1x!tpu.dma_semaphore, #tpu.memory_space<semaphore_mem>>
    %dma_start3A_36 = tpu.memref_squeeze %dma_start3A_35 : memref<1x!tpu.dma_semaphore, #tpu.memory_space<semaphore_mem>> -> memref<!tpu.dma_semaphore, #tpu.memory_space<semaphore_mem>>
    tpu.enqueue_indirect_dma source(%dma_start3A_34 : memref<1000000x64xf32, #tpu.memory_space<hbm>>) target(%dma_start3A_28 : memref<400x64xf32, #tpu.memory_space<vmem>>) offsets(%dma_start3A_31 : memref<400xi32, #tpu.memory_space<vmem>>) semaphore(%dma_start3A_36 : memref<!tpu.dma_semaphore, #tpu.memory_space<semaphore_mem>>)
    %add3A_37 = arith.constant 800 : i32
    %add3A_38 = arith.addi %mul3A_2, %add3A_37 : i32
    %run_scoped3A_39 = arith.constant 2 : i32
    "tpu.region"() ({
      %run_scoped3A_148 = tpu.sem_alloc : memref<!tpu.dma_semaphore, #tpu.memory_space<semaphore_mem>>
      %dma_start3A_149 = arith.constant 0 : i32
      %dma_start3A_150 = tpu.memref_slice %arg6[%run_scoped3A_39, %dma_start3A_149] : memref<4x400xi32, #tpu.memory_space<vmem>> -> memref<1x400xi32, #tpu.memory_space<vmem>>
      %dma_start3A_151 = tpu.memref_squeeze %dma_start3A_150 : memref<1x400xi32, #tpu.memory_space<vmem>> -> memref<400xi32, #tpu.memory_space<vmem>>
      %dma_start3A_152 = tpu.memref_slice %arg2[%add3A_38] : memref<819200xi32, #tpu.memory_space<hbm>> -> memref<400xi32, #tpu.memory_space<hbm>>
      %dma_start3A_153 = arith.constant 0 : i32
      %dma_start3A_154 = tpu.memref_slice %arg6[%run_scoped3A_39, %dma_start3A_153] : memref<4x400xi32, #tpu.memory_space<vmem>> -> memref<1x400xi32, #tpu.memory_space<vmem>>
      %dma_start3A_155 = tpu.memref_squeeze %dma_start3A_154 : memref<1x400xi32, #tpu.memory_space<vmem>> -> memref<400xi32, #tpu.memory_space<vmem>>
      %dma_start3A_156 = tpu.memref_slice %arg2[%add3A_38] : memref<819200xi32, #tpu.memory_space<hbm>> -> memref<400xi32, #tpu.memory_space<hbm>>
      tpu.enqueue_dma source(%dma_start3A_156 : memref<400xi32, #tpu.memory_space<hbm>>) target(%dma_start3A_155 : memref<400xi32, #tpu.memory_space<vmem>>) target_semaphore(%run_scoped3A_148 : memref<!tpu.dma_semaphore, #tpu.memory_space<semaphore_mem>>)
      %dma_wait3A_157 = arith.constant 0 : i32
      %dma_wait3A_158 = tpu.memref_slice %arg6[%run_scoped3A_39, %dma_wait3A_157] : memref<4x400xi32, #tpu.memory_space<vmem>> -> memref<1x400xi32, #tpu.memory_space<vmem>>
      %dma_wait3A_159 = tpu.memref_squeeze %dma_wait3A_158 : memref<1x400xi32, #tpu.memory_space<vmem>> -> memref<400xi32, #tpu.memory_space<vmem>>
      %dma_wait3A_160 = tpu.memref_slice %arg2[%add3A_38] : memref<819200xi32, #tpu.memory_space<hbm>> -> memref<400xi32, #tpu.memory_space<hbm>>
      %dma_wait3A_161 = arith.constant 0 : i32
      %dma_wait3A_162 = tpu.memref_slice %arg6[%run_scoped3A_39, %dma_wait3A_161] : memref<4x400xi32, #tpu.memory_space<vmem>> -> memref<1x400xi32, #tpu.memory_space<vmem>>
      %dma_wait3A_163 = tpu.memref_squeeze %dma_wait3A_162 : memref<1x400xi32, #tpu.memory_space<vmem>> -> memref<400xi32, #tpu.memory_space<vmem>>
      %dma_wait3A_164 = tpu.memref_slice %arg2[%add3A_38] : memref<819200xi32, #tpu.memory_space<hbm>> -> memref<400xi32, #tpu.memory_space<hbm>>
      tpu.wait_dma2 semaphore(%run_scoped3A_148 : memref<!tpu.dma_semaphore, #tpu.memory_space<semaphore_mem>>) src(%dma_wait3A_164 : memref<400xi32, #tpu.memory_space<hbm>>) dst(%dma_wait3A_163 : memref<400xi32, #tpu.memory_space<vmem>>)
      tpu.yield
    }) : () -> ()
    %dma_start3A_40 = arith.constant 2 : i32
    %dma_start3A_41 = arith.constant 2 : i32
    %dma_start3A_42 = arith.constant 2 : i32
    %dma_start3A_43 = arith.constant 0 : i32
    %dma_start3A_44 = arith.constant 0 : i32
    %dma_start3A_45 = tpu.memref_slice %arg7[%dma_start3A_41, %dma_start3A_43, %dma_start3A_44] : memref<4x400x64xf32, #tpu.memory_space<vmem>> -> memref<1x400x64xf32, #tpu.memory_space<vmem>>
    %dma_start3A_46 = tpu.memref_squeeze %dma_start3A_45 : memref<1x400x64xf32, #tpu.memory_space<vmem>> -> memref<400x64xf32, #tpu.memory_space<vmem>>
    %dma_start3A_47 = arith.constant 0 : i32
    %dma_start3A_48 = tpu.memref_slice %arg6[%dma_start3A_40, %dma_start3A_47] : memref<4x400xi32, #tpu.memory_space<vmem>> -> memref<1x400xi32, #tpu.memory_space<vmem>>
    %dma_start3A_49 = tpu.memref_squeeze %dma_start3A_48 : memref<1x400xi32, #tpu.memory_space<vmem>> -> memref<400xi32, #tpu.memory_space<vmem>>
    %dma_start3A_50 = arith.constant 0 : i32
    %dma_start3A_51 = arith.constant 0 : i32
    %dma_start3A_52 = tpu.memref_slice %arg4[%dma_start3A_50, %dma_start3A_51] : memref<1000000x64xf32, #tpu.memory_space<hbm>> -> memref<1000000x64xf32, #tpu.memory_space<hbm>>
    %dma_start3A_53 = tpu.memref_slice %arg9[%dma_start3A_42] : memref<4x!tpu.dma_semaphore, #tpu.memory_space<semaphore_mem>> -> memref<1x!tpu.dma_semaphore, #tpu.memory_space<semaphore_mem>>
    %dma_start3A_54 = tpu.memref_squeeze %dma_start3A_53 : memref<1x!tpu.dma_semaphore, #tpu.memory_space<semaphore_mem>> -> memref<!tpu.dma_semaphore, #tpu.memory_space<semaphore_mem>>
    tpu.enqueue_indirect_dma source(%dma_start3A_52 : memref<1000000x64xf32, #tpu.memory_space<hbm>>) target(%dma_start3A_46 : memref<400x64xf32, #tpu.memory_space<vmem>>) offsets(%dma_start3A_49 : memref<400xi32, #tpu.memory_space<vmem>>) semaphore(%dma_start3A_54 : memref<!tpu.dma_semaphore, #tpu.memory_space<semaphore_mem>>)
    %add3A_55 = arith.constant 1200 : i32
    %add3A_56 = arith.addi %mul3A_2, %add3A_55 : i32
    %run_scoped3A_57 = arith.constant 3 : i32
    "tpu.region"() ({
      %run_scoped3A_148 = tpu.sem_alloc : memref<!tpu.dma_semaphore, #tpu.memory_space<semaphore_mem>>
      %dma_start3A_149 = arith.constant 0 : i32
      %dma_start3A_150 = tpu.memref_slice %arg6[%run_scoped3A_57, %dma_start3A_149] : memref<4x400xi32, #tpu.memory_space<vmem>> -> memref<1x400xi32, #tpu.memory_space<vmem>>
      %dma_start3A_151 = tpu.memref_squeeze %dma_start3A_150 : memref<1x400xi32, #tpu.memory_space<vmem>> -> memref<400xi32, #tpu.memory_space<vmem>>
      %dma_start3A_152 = tpu.memref_slice %arg2[%add3A_56] : memref<819200xi32, #tpu.memory_space<hbm>> -> memref<400xi32, #tpu.memory_space<hbm>>
      %dma_start3A_153 = arith.constant 0 : i32
      %dma_start3A_154 = tpu.memref_slice %arg6[%run_scoped3A_57, %dma_start3A_153] : memref<4x400xi32, #tpu.memory_space<vmem>> -> memref<1x400xi32, #tpu.memory_space<vmem>>
      %dma_start3A_155 = tpu.memref_squeeze %dma_start3A_154 : memref<1x400xi32, #tpu.memory_space<vmem>> -> memref<400xi32, #tpu.memory_space<vmem>>
      %dma_start3A_156 = tpu.memref_slice %arg2[%add3A_56] : memref<819200xi32, #tpu.memory_space<hbm>> -> memref<400xi32, #tpu.memory_space<hbm>>
      tpu.enqueue_dma source(%dma_start3A_156 : memref<400xi32, #tpu.memory_space<hbm>>) target(%dma_start3A_155 : memref<400xi32, #tpu.memory_space<vmem>>) target_semaphore(%run_scoped3A_148 : memref<!tpu.dma_semaphore, #tpu.memory_space<semaphore_mem>>)
      %dma_wait3A_157 = arith.constant 0 : i32
      %dma_wait3A_158 = tpu.memref_slice %arg6[%run_scoped3A_57, %dma_wait3A_157] : memref<4x400xi32, #tpu.memory_space<vmem>> -> memref<1x400xi32, #tpu.memory_space<vmem>>
      %dma_wait3A_159 = tpu.memref_squeeze %dma_wait3A_158 : memref<1x400xi32, #tpu.memory_space<vmem>> -> memref<400xi32, #tpu.memory_space<vmem>>
      %dma_wait3A_160 = tpu.memref_slice %arg2[%add3A_56] : memref<819200xi32, #tpu.memory_space<hbm>> -> memref<400xi32, #tpu.memory_space<hbm>>
      %dma_wait3A_161 = arith.constant 0 : i32
      %dma_wait3A_162 = tpu.memref_slice %arg6[%run_scoped3A_57, %dma_wait3A_161] : memref<4x400xi32, #tpu.memory_space<vmem>> -> memref<1x400xi32, #tpu.memory_space<vmem>>
      %dma_wait3A_163 = tpu.memref_squeeze %dma_wait3A_162 : memref<1x400xi32, #tpu.memory_space<vmem>> -> memref<400xi32, #tpu.memory_space<vmem>>
      %dma_wait3A_164 = tpu.memref_slice %arg2[%add3A_56] : memref<819200xi32, #tpu.memory_space<hbm>> -> memref<400xi32, #tpu.memory_space<hbm>>
      tpu.wait_dma2 semaphore(%run_scoped3A_148 : memref<!tpu.dma_semaphore, #tpu.memory_space<semaphore_mem>>) src(%dma_wait3A_164 : memref<400xi32, #tpu.memory_space<hbm>>) dst(%dma_wait3A_163 : memref<400xi32, #tpu.memory_space<vmem>>)
      tpu.yield
    }) : () -> ()
    %dma_start3A_58 = arith.constant 3 : i32
    %dma_start3A_59 = arith.constant 3 : i32
    %dma_start3A_60 = arith.constant 3 : i32
    %dma_start3A_61 = arith.constant 0 : i32
    %dma_start3A_62 = arith.constant 0 : i32
    %dma_start3A_63 = tpu.memref_slice %arg7[%dma_start3A_59, %dma_start3A_61, %dma_start3A_62] : memref<4x400x64xf32, #tpu.memory_space<vmem>> -> memref<1x400x64xf32, #tpu.memory_space<vmem>>
    %dma_start3A_64 = tpu.memref_squeeze %dma_start3A_63 : memref<1x400x64xf32, #tpu.memory_space<vmem>> -> memref<400x64xf32, #tpu.memory_space<vmem>>
    %dma_start3A_65 = arith.constant 0 : i32
    %dma_start3A_66 = tpu.memref_slice %arg6[%dma_start3A_58, %dma_start3A_65] : memref<4x400xi32, #tpu.memory_space<vmem>> -> memref<1x400xi32, #tpu.memory_space<vmem>>
    %dma_start3A_67 = tpu.memref_squeeze %dma_start3A_66 : memref<1x400xi32, #tpu.memory_space<vmem>> -> memref<400xi32, #tpu.memory_space<vmem>>
    %dma_start3A_68 = arith.constant 0 : i32
    %dma_start3A_69 = arith.constant 0 : i32
    %dma_start3A_70 = tpu.memref_slice %arg4[%dma_start3A_68, %dma_start3A_69] : memref<1000000x64xf32, #tpu.memory_space<hbm>> -> memref<1000000x64xf32, #tpu.memory_space<hbm>>
    %dma_start3A_71 = tpu.memref_slice %arg9[%dma_start3A_60] : memref<4x!tpu.dma_semaphore, #tpu.memory_space<semaphore_mem>> -> memref<1x!tpu.dma_semaphore, #tpu.memory_space<semaphore_mem>>
    %dma_start3A_72 = tpu.memref_squeeze %dma_start3A_71 : memref<1x!tpu.dma_semaphore, #tpu.memory_space<semaphore_mem>> -> memref<!tpu.dma_semaphore, #tpu.memory_space<semaphore_mem>>
    tpu.enqueue_indirect_dma source(%dma_start3A_70 : memref<1000000x64xf32, #tpu.memory_space<hbm>>) target(%dma_start3A_64 : memref<400x64xf32, #tpu.memory_space<vmem>>) offsets(%dma_start3A_67 : memref<400xi32, #tpu.memory_space<vmem>>) semaphore(%dma_start3A_72 : memref<!tpu.dma_semaphore, #tpu.memory_space<semaphore_mem>>)
    %scan3A = arith.constant 0 : i32
    %scan3A_73 = arith.constant 16 : i32
    %scan3A_74 = arith.addi %scan3A, %scan3A_73 : i32
    %scan3A_75 = arith.constant 1 : i32
    scf.for %scan3A_148 = %scan3A to %scan3A_74 step %scan3A_75  : i32 {
      %mul3A_149 = arith.constant 4 : i32
      %mul3A_150 = arith.muli %scan3A_148, %mul3A_149 : i32
      %add3A_151 = arith.constant 0 : i32
      %add3A_152 = arith.addi %add3A_151, %mul3A_150 : i32
      %add3A_153 = arith.constant 0 : i32
      %add3A_154 = arith.addi %add3A_152, %add3A_153 : i32
      %dma_wait3A_155 = arith.constant 0 : i32
      %dma_wait3A_156 = arith.constant 0 : i32
      %dma_wait3A_157 = arith.constant 0 : i32
      %dma_wait3A_158 = arith.constant 0 : i32
      %dma_wait3A_159 = arith.constant 0 : i32
      %dma_wait3A_160 = tpu.memref_slice %arg7[%dma_wait3A_156, %dma_wait3A_158, %dma_wait3A_159] : memref<4x400x64xf32, #tpu.memory_space<vmem>> -> memref<1x400x64xf32, #tpu.memory_space<vmem>>
      %dma_wait3A_161 = tpu.memref_squeeze %dma_wait3A_160 : memref<1x400x64xf32, #tpu.memory_space<vmem>> -> memref<400x64xf32, #tpu.memory_space<vmem>>
      %dma_wait3A_162 = arith.constant 0 : i32
      %dma_wait3A_163 = tpu.memref_slice %arg6[%dma_wait3A_155, %dma_wait3A_162] : memref<4x400xi32, #tpu.memory_space<vmem>> -> memref<1x400xi32, #tpu.memory_space<vmem>>
      %dma_wait3A_164 = tpu.memref_squeeze %dma_wait3A_163 : memref<1x400xi32, #tpu.memory_space<vmem>> -> memref<400xi32, #tpu.memory_space<vmem>>
      %dma_wait3A_165 = arith.constant 0 : i32
      %dma_wait3A_166 = arith.constant 0 : i32
      %dma_wait3A_167 = tpu.memref_slice %arg4[%dma_wait3A_165, %dma_wait3A_166] : memref<1000000x64xf32, #tpu.memory_space<hbm>> -> memref<1000000x64xf32, #tpu.memory_space<hbm>>
      %dma_wait3A_168 = tpu.memref_slice %arg9[%dma_wait3A_157] : memref<4x!tpu.dma_semaphore, #tpu.memory_space<semaphore_mem>> -> memref<1x!tpu.dma_semaphore, #tpu.memory_space<semaphore_mem>>
      %dma_wait3A_169 = tpu.memref_squeeze %dma_wait3A_168 : memref<1x!tpu.dma_semaphore, #tpu.memory_space<semaphore_mem>> -> memref<!tpu.dma_semaphore, #tpu.memory_space<semaphore_mem>>
      tpu.wait_indirect_dma semaphore(%dma_wait3A_169 : memref<!tpu.dma_semaphore, #tpu.memory_space<semaphore_mem>>) src(%dma_wait3A_167 : memref<1000000x64xf32, #tpu.memory_space<hbm>>) dst(%dma_wait3A_161 : memref<400x64xf32, #tpu.memory_space<vmem>>)
      %add3A_170 = arith.constant 4 : i32
      %add3A_171 = arith.addi %add3A_154, %add3A_170 : i32
      %lt3A = arith.constant 64 : i32
      %lt3A_172 = arith.cmpi slt, %add3A_171, %lt3A : i32
      %convert_element_type3A = arith.extui %lt3A_172 : i1 to i32
      %cond3A = arith.constant 0 : i32
      %cond3A_173 = arith.cmpi ne, %convert_element_type3A, %cond3A : i32
      scf.if %cond3A_173 {
        %add3A_387 = arith.constant 4 : i32
        %add3A_388 = arith.addi %add3A_154, %add3A_387 : i32
        %mul3A_389 = arith.constant 400 : i32
        %mul3A_390 = arith.muli %add3A_388, %mul3A_389 : i32
        %add3A_391 = arith.addi %mul3A_2, %mul3A_390 : i32
        %dma_start3A_392 = arith.constant 0 : i32
        %dma_start3A_393 = arith.constant 0 : i32
        %dma_start3A_394 = arith.constant 0 : i32
        %dma_start3A_395 = tpu.memref_slice %arg6[%dma_start3A_392, %dma_start3A_394] : memref<4x400xi32, #tpu.memory_space<vmem>> -> memref<1x400xi32, #tpu.memory_space<vmem>>
        %dma_start3A_396 = tpu.memref_squeeze %dma_start3A_395 : memref<1x400xi32, #tpu.memory_space<vmem>> -> memref<400xi32, #tpu.memory_space<vmem>>
        %dma_start3A_397 = tpu.memref_slice %arg2[%add3A_391] : memref<819200xi32, #tpu.memory_space<hbm>> -> memref<400xi32, #tpu.memory_space<hbm>>
        %dma_start3A_398 = tpu.memref_slice %arg11[%dma_start3A_393] : memref<4x!tpu.dma_semaphore, #tpu.memory_space<semaphore_mem>> -> memref<1x!tpu.dma_semaphore, #tpu.memory_space<semaphore_mem>>
        %dma_start3A_399 = tpu.memref_squeeze %dma_start3A_398 : memref<1x!tpu.dma_semaphore, #tpu.memory_space<semaphore_mem>> -> memref<!tpu.dma_semaphore, #tpu.memory_space<semaphore_mem>>
        %dma_start3A_400 = arith.constant 0 : i32
        %dma_start3A_401 = tpu.memref_slice %arg6[%dma_start3A_392, %dma_start3A_400] : memref<4x400xi32, #tpu.memory_space<vmem>> -> memref<1x400xi32, #tpu.memory_space<vmem>>
        %dma_start3A_402 = tpu.memref_squeeze %dma_start3A_401 : memref<1x400xi32, #tpu.memory_space<vmem>> -> memref<400xi32, #tpu.memory_space<vmem>>
        %dma_start3A_403 = tpu.memref_slice %arg2[%add3A_391] : memref<819200xi32, #tpu.memory_space<hbm>> -> memref<400xi32, #tpu.memory_space<hbm>>
        tpu.enqueue_dma source(%dma_start3A_403 : memref<400xi32, #tpu.memory_space<hbm>>) target(%dma_start3A_402 : memref<400xi32, #tpu.memory_space<vmem>>) target_semaphore(%dma_start3A_399 : memref<!tpu.dma_semaphore, #tpu.memory_space<semaphore_mem>>)
      } else {
      }
      %scan3A_174 = arith.constant 0 : i32
      %scan3A_175 = arith.constant 200 : i32
      %scan3A_176 = arith.addi %scan3A_174, %scan3A_175 : i32
      %scan3A_177 = arith.constant 1 : i32
      scf.for %scan3A_387 = %scan3A_174 to %scan3A_176 step %scan3A_177  : i32 {
        %mul3A_388 = arith.constant 1 : i32
        %mul3A_389 = arith.muli %scan3A_387, %mul3A_388 : i32
        %add3A_390 = arith.constant 0 : i32
        %add3A_391 = arith.addi %add3A_390, %mul3A_389 : i32
        %get3A = arith.index_cast %add3A_391 : i32 to index
        %get3A_392 = arith.constant 0 : index
        %get3A_393 = tpu.vector_load %arg8[%get3A, %get3A_392] {strides = array<i32>} : memref<200x64xf32, #tpu.memory_space<vmem>>, vector<16xf32>,
        %add3A_394 = arith.constant 0 : i32
        %add3A_395 = arith.addi %add3A_391, %add3A_394 : i32
        %get3A_396 = arith.constant 0 : i32
        %get3A_397 = arith.index_cast %get3A_396 : i32 to index
        %get3A_398 = arith.index_cast %add3A_395 : i32 to index
        %get3A_399 = arith.constant 0 : index
        %get3A_400 = tpu.vector_load %arg7[%get3A_397, %get3A_398, %get3A_399] {strides = array<i32>} : memref<4x400x64xf32, #tpu.memory_space<vmem>>, vector<16xf32>,
        %add3A_401 = arith.addf %get3A_400, %get3A_393 : vector<16xf32>
        %swap3A = arith.constant 0 : i32
        %swap3A_402 = arith.index_cast %swap3A : i32 to index
        %swap3A_403 = arith.index_cast %add3A_395 : i32 to index
        %swap3A_404 = arith.constant 0 : index
        %swap3A_405 = tpu.vector_load %arg7[%swap3A_402, %swap3A_403, %swap3A_404] {strides = array<i32>} : memref<4x400x64xf32, #tpu.memory_space<vmem>>, vector<16xf32>,
        tpu.vector_store %arg7[%swap3A_402, %swap3A_403, %swap3A_404], %add3A_401 {strides = array<i32>} : memref<4x400x64xf32, #tpu.memory_space<vmem>>, vector<16xf32>,
        %add3A_406 = arith.constant 200 : i32
        %add3A_407 = arith.addi %add3A_391, %add3A_406 : i32
        %get3A_408 = arith.constant 0 : i32
        %get3A_409 = arith.index_cast %get3A_408 : i32 to index
        %get3A_410 = arith.index_cast %add3A_407 : i32 to index
        %get3A_411 = arith.constant 0 : index
        %get3A_412 = tpu.vector_load %arg7[%get3A_409, %get3A_410, %get3A_411] {strides = array<i32>} : memref<4x400x64xf32, #tpu.memory_space<vmem>>, vector<16xf32>,
        %add3A_413 = arith.addf %get3A_412, %get3A_393 : vector<16xf32>
        %swap3A_414 = arith.constant 0 : i32
        %swap3A_415 = arith.index_cast %swap3A_414 : i32 to index
        %swap3A_416 = arith.index_cast %add3A_407 : i32 to index
        %swap3A_417 = arith.constant 0 : index
        %swap3A_418 = tpu.vector_load %arg7[%swap3A_415, %swap3A_416, %swap3A_417] {strides = array<i32>} : memref<4x400x64xf32, #tpu.memory_space<vmem>>, vector<16xf32>,
        tpu.vector_store %arg7[%swap3A_415, %swap3A_416, %swap3A_417], %add3A_413 {strides = array<i32>} : memref<4x400x64xf32, #tpu.memory_space<vmem>>, vector<16xf32>,
        %get3A_419 = arith.index_cast %add3A_391 : i32 to index
        %get3A_420 = arith.constant 16 : index
        %get3A_421 = tpu.vector_load %arg8[%get3A_419, %get3A_420] {strides = array<i32>} : memref<200x64xf32, #tpu.memory_space<vmem>>, vector<16xf32>,
        %add3A_422 = arith.constant 0 : i32
        %add3A_423 = arith.addi %add3A_391, %add3A_422 : i32
        %get3A_424 = arith.constant 0 : i32
        %get3A_425 = arith.index_cast %get3A_424 : i32 to index
        %get3A_426 = arith.index_cast %add3A_423 : i32 to index
        %get3A_427 = arith.constant 16 : index
        %get3A_428 = tpu.vector_load %arg7[%get3A_425, %get3A_426, %get3A_427] {strides = array<i32>} : memref<4x400x64xf32, #tpu.memory_space<vmem>>, vector<16xf32>,
        %add3A_429 = arith.addf %get3A_428, %get3A_421 : vector<16xf32>
        %swap3A_430 = arith.constant 0 : i32
        %swap3A_431 = arith.index_cast %swap3A_430 : i32 to index
        %swap3A_432 = arith.index_cast %add3A_423 : i32 to index
        %swap3A_433 = arith.constant 16 : index
        %swap3A_434 = tpu.vector_load %arg7[%swap3A_431, %swap3A_432, %swap3A_433] {strides = array<i32>} : memref<4x400x64xf32, #tpu.memory_space<vmem>>, vector<16xf32>,
        tpu.vector_store %arg7[%swap3A_431, %swap3A_432, %swap3A_433], %add3A_429 {strides = array<i32>} : memref<4x400x64xf32, #tpu.memory_space<vmem>>, vector<16xf32>,
        %add3A_435 = arith.constant 200 : i32
        %add3A_436 = arith.addi %add3A_391, %add3A_435 : i32
        %get3A_437 = arith.constant 0 : i32
        %get3A_438 = arith.index_cast %get3A_437 : i32 to index
        %get3A_439 = arith.index_cast %add3A_436 : i32 to index
        %get3A_440 = arith.constant 16 : index
        %get3A_441 = tpu.vector_load %arg7[%get3A_438, %get3A_439, %get3A_440] {strides = array<i32>} : memref<4x400x64xf32, #tpu.memory_space<vmem>>, vector<16xf32>,
        %add3A_442 = arith.addf %get3A_441, %get3A_421 : vector<16xf32>
        %swap3A_443 = arith.constant 0 : i32
        %swap3A_444 = arith.index_cast %swap3A_443 : i32 to index
        %swap3A_445 = arith.index_cast %add3A_436 : i32 to index
        %swap3A_446 = arith.constant 16 : index
        %swap3A_447 = tpu.vector_load %arg7[%swap3A_444, %swap3A_445, %swap3A_446] {strides = array<i32>} : memref<4x400x64xf32, #tpu.memory_space<vmem>>, vector<16xf32>,
        tpu.vector_store %arg7[%swap3A_444, %swap3A_445, %swap3A_446], %add3A_442 {strides = array<i32>} : memref<4x400x64xf32, #tpu.memory_space<vmem>>, vector<16xf32>,
        %get3A_448 = arith.index_cast %add3A_391 : i32 to index
        %get3A_449 = arith.constant 32 : index
        %get3A_450 = tpu.vector_load %arg8[%get3A_448, %get3A_449] {strides = array<i32>} : memref<200x64xf32, #tpu.memory_space<vmem>>, vector<16xf32>,
        %add3A_451 = arith.constant 0 : i32
        %add3A_452 = arith.addi %add3A_391, %add3A_451 : i32
        %get3A_453 = arith.constant 0 : i32
        %get3A_454 = arith.index_cast %get3A_453 : i32 to index
        %get3A_455 = arith.index_cast %add3A_452 : i32 to index
        %get3A_456 = arith.constant 32 : index
        %get3A_457 = tpu.vector_load %arg7[%get3A_454, %get3A_455, %get3A_456] {strides = array<i32>} : memref<4x400x64xf32, #tpu.memory_space<vmem>>, vector<16xf32>,
        %add3A_458 = arith.addf %get3A_457, %get3A_450 : vector<16xf32>
        %swap3A_459 = arith.constant 0 : i32
        %swap3A_460 = arith.index_cast %swap3A_459 : i32 to index
        %swap3A_461 = arith.index_cast %add3A_452 : i32 to index
        %swap3A_462 = arith.constant 32 : index
        %swap3A_463 = tpu.vector_load %arg7[%swap3A_460, %swap3A_461, %swap3A_462] {strides = array<i32>} : memref<4x400x64xf32, #tpu.memory_space<vmem>>, vector<16xf32>,
        tpu.vector_store %arg7[%swap3A_460, %swap3A_461, %swap3A_462], %add3A_458 {strides = array<i32>} : memref<4x400x64xf32, #tpu.memory_space<vmem>>, vector<16xf32>,
        %add3A_464 = arith.constant 200 : i32
        %add3A_465 = arith.addi %add3A_391, %add3A_464 : i32
        %get3A_466 = arith.constant 0 : i32
        %get3A_467 = arith.index_cast %get3A_466 : i32 to index
        %get3A_468 = arith.index_cast %add3A_465 : i32 to index
        %get3A_469 = arith.constant 32 : index
        %get3A_470 = tpu.vector_load %arg7[%get3A_467, %get3A_468, %get3A_469] {strides = array<i32>} : memref<4x400x64xf32, #tpu.memory_space<vmem>>, vector<16xf32>,
        %add3A_471 = arith.addf %get3A_470, %get3A_450 : vector<16xf32>
        %swap3A_472 = arith.constant 0 : i32
        %swap3A_473 = arith.index_cast %swap3A_472 : i32 to index
        %swap3A_474 = arith.index_cast %add3A_465 : i32 to index
        %swap3A_475 = arith.constant 32 : index
        %swap3A_476 = tpu.vector_load %arg7[%swap3A_473, %swap3A_474, %swap3A_475] {strides = array<i32>} : memref<4x400x64xf32, #tpu.memory_space<vmem>>, vector<16xf32>,
        tpu.vector_store %arg7[%swap3A_473, %swap3A_474, %swap3A_475], %add3A_471 {strides = array<i32>} : memref<4x400x64xf32, #tpu.memory_space<vmem>>, vector<16xf32>,
        %get3A_477 = arith.index_cast %add3A_391 : i32 to index
        %get3A_478 = arith.constant 48 : index
        %get3A_479 = tpu.vector_load %arg8[%get3A_477, %get3A_478] {strides = array<i32>} : memref<200x64xf32, #tpu.memory_space<vmem>>, vector<16xf32>,
        %add3A_480 = arith.constant 0 : i32
        %add3A_481 = arith.addi %add3A_391, %add3A_480 : i32
        %get3A_482 = arith.constant 0 : i32
        %get3A_483 = arith.index_cast %get3A_482 : i32 to index
        %get3A_484 = arith.index_cast %add3A_481 : i32 to index
        %get3A_485 = arith.constant 48 : index
        %get3A_486 = tpu.vector_load %arg7[%get3A_483, %get3A_484, %get3A_485] {strides = array<i32>} : memref<4x400x64xf32, #tpu.memory_space<vmem>>, vector<16xf32>,
        %add3A_487 = arith.addf %get3A_486, %get3A_479 : vector<16xf32>
        %swap3A_488 = arith.constant 0 : i32
        %swap3A_489 = arith.index_cast %swap3A_488 : i32 to index
        %swap3A_490 = arith.index_cast %add3A_481 : i32 to index
        %swap3A_491 = arith.constant 48 : index
        %swap3A_492 = tpu.vector_load %arg7[%swap3A_489, %swap3A_490, %swap3A_491] {strides = array<i32>} : memref<4x400x64xf32, #tpu.memory_space<vmem>>, vector<16xf32>,
        tpu.vector_store %arg7[%swap3A_489, %swap3A_490, %swap3A_491], %add3A_487 {strides = array<i32>} : memref<4x400x64xf32, #tpu.memory_space<vmem>>, vector<16xf32>,
        %add3A_493 = arith.constant 200 : i32
        %add3A_494 = arith.addi %add3A_391, %add3A_493 : i32
        %get3A_495 = arith.constant 0 : i32
        %get3A_496 = arith.index_cast %get3A_495 : i32 to index
        %get3A_497 = arith.index_cast %add3A_494 : i32 to index
        %get3A_498 = arith.constant 48 : index
        %get3A_499 = tpu.vector_load %arg7[%get3A_496, %get3A_497, %get3A_498] {strides = array<i32>} : memref<4x400x64xf32, #tpu.memory_space<vmem>>, vector<16xf32>,
        %add3A_500 = arith.addf %get3A_499, %get3A_479 : vector<16xf32>
        %swap3A_501 = arith.constant 0 : i32
        %swap3A_502 = arith.index_cast %swap3A_501 : i32 to index
        %swap3A_503 = arith.index_cast %add3A_494 : i32 to index
        %swap3A_504 = arith.constant 48 : index
        %swap3A_505 = tpu.vector_load %arg7[%swap3A_502, %swap3A_503, %swap3A_504] {strides = array<i32>} : memref<4x400x64xf32, #tpu.memory_space<vmem>>, vector<16xf32>,
        tpu.vector_store %arg7[%swap3A_502, %swap3A_503, %swap3A_504], %add3A_500 {strides = array<i32>} : memref<4x400x64xf32, #tpu.memory_space<vmem>>, vector<16xf32>,
      }
      %scan3A_178 = arith.constant 200 : i32
      %mul3A_179 = arith.constant 400 : i32
      %mul3A_180 = arith.muli %add3A_154, %mul3A_179 : i32
      %add3A_181 = arith.addi %mul3A_2, %mul3A_180 : i32
      %dma_start3A_182 = arith.constant 0 : i32
      %dma_start3A_183 = arith.constant 0 : i32
      %dma_start3A_184 = arith.constant 0 : i32
      %dma_start3A_185 = arith.constant 0 : i32
      %dma_start3A_186 = tpu.memref_slice %arg7[%dma_start3A_182, %dma_start3A_184, %dma_start3A_185] : memref<4x400x64xf32, #tpu.memory_space<vmem>> -> memref<1x400x64xf32, #tpu.memory_space<vmem>>
      %dma_start3A_187 = tpu.memref_squeeze %dma_start3A_186 : memref<1x400x64xf32, #tpu.memory_space<vmem>> -> memref<400x64xf32, #tpu.memory_space<vmem>>
      %dma_start3A_188 = arith.constant 0 : i32
      %dma_start3A_189 = tpu.memref_slice %arg5[%add3A_181, %dma_start3A_188] : memref<819200x64xf32, #tpu.memory_space<hbm>> -> memref<400x64xf32, #tpu.memory_space<hbm>>
      %dma_start3A_190 = tpu.memref_slice %arg10[%dma_start3A_183] : memref<4x!tpu.dma_semaphore, #tpu.memory_space<semaphore_mem>> -> memref<1x!tpu.dma_semaphore, #tpu.memory_space<semaphore_mem>>
      %dma_start3A_191 = tpu.memref_squeeze %dma_start3A_190 : memref<1x!tpu.dma_semaphore, #tpu.memory_space<semaphore_mem>> -> memref<!tpu.dma_semaphore, #tpu.memory_space<semaphore_mem>>
      %dma_start3A_192 = arith.constant 0 : i32
      %dma_start3A_193 = tpu.memref_slice %arg5[%add3A_181, %dma_start3A_192] : memref<819200x64xf32, #tpu.memory_space<hbm>> -> memref<400x64xf32, #tpu.memory_space<hbm>>
      %dma_start3A_194 = arith.constant 0 : i32
      %dma_start3A_195 = arith.constant 0 : i32
      %dma_start3A_196 = tpu.memref_slice %arg7[%dma_start3A_182, %dma_start3A_194, %dma_start3A_195] : memref<4x400x64xf32, #tpu.memory_space<vmem>> -> memref<1x400x64xf32, #tpu.memory_space<vmem>>
      %dma_start3A_197 = tpu.memref_squeeze %dma_start3A_196 : memref<1x400x64xf32, #tpu.memory_space<vmem>> -> memref<400x64xf32, #tpu.memory_space<vmem>>
      tpu.enqueue_dma source(%dma_start3A_197 : memref<400x64xf32, #tpu.memory_space<vmem>>) target(%dma_start3A_193 : memref<400x64xf32, #tpu.memory_space<hbm>>) target_semaphore(%dma_start3A_191 : memref<!tpu.dma_semaphore, #tpu.memory_space<semaphore_mem>>)
      %sub3A = arith.constant 1 : i32
      %sub3A_198 = arith.subi %add3A_154, %sub3A : i32
      %add3A_199 = arith.constant 4 : i32
      %add3A_200 = arith.addi %sub3A_198, %add3A_199 : i32
      %ge3A = arith.constant 4 : i32
      %ge3A_201 = arith.cmpi sge, %add3A_200, %ge3A : i32
      %lt3A_202 = arith.constant 64 : i32
      %lt3A_203 = arith.cmpi slt, %add3A_200, %lt3A_202 : i32
      %and3A = arith.andi %ge3A_201, %lt3A_203 : i1
      %convert_element_type3A_204 = arith.extui %and3A : i1 to i32
      %cond3A_205 = arith.constant 0 : i32
      %cond3A_206 = arith.cmpi ne, %convert_element_type3A_204, %cond3A_205 : i32
      scf.if %cond3A_206 {
        %sub3A_387 = arith.constant 4 : i32
        %sub3A_388 = arith.subi %add3A_200, %sub3A_387 : i32
        %mul3A_389 = arith.constant 400 : i32
        %mul3A_390 = arith.muli %sub3A_388, %mul3A_389 : i32
        %add3A_391 = arith.addi %mul3A_2, %mul3A_390 : i32
        %dma_wait3A_392 = arith.constant 3 : i32
        %dma_wait3A_393 = arith.constant 3 : i32
        %dma_wait3A_394 = arith.constant 0 : i32
        %dma_wait3A_395 = arith.constant 0 : i32
        %dma_wait3A_396 = tpu.memref_slice %arg7[%dma_wait3A_392, %dma_wait3A_394, %dma_wait3A_395] : memref<4x400x64xf32, #tpu.memory_space<vmem>> -> memref<1x400x64xf32, #tpu.memory_space<vmem>>
        %dma_wait3A_397 = tpu.memref_squeeze %dma_wait3A_396 : memref<1x400x64xf32, #tpu.memory_space<vmem>> -> memref<400x64xf32, #tpu.memory_space<vmem>>
        %dma_wait3A_398 = arith.constant 0 : i32
        %dma_wait3A_399 = tpu.memref_slice %arg5[%add3A_391, %dma_wait3A_398] : memref<819200x64xf32, #tpu.memory_space<hbm>> -> memref<400x64xf32, #tpu.memory_space<hbm>>
        %dma_wait3A_400 = tpu.memref_slice %arg10[%dma_wait3A_393] : memref<4x!tpu.dma_semaphore, #tpu.memory_space<semaphore_mem>> -> memref<1x!tpu.dma_semaphore, #tpu.memory_space<semaphore_mem>>
        %dma_wait3A_401 = tpu.memref_squeeze %dma_wait3A_400 : memref<1x!tpu.dma_semaphore, #tpu.memory_space<semaphore_mem>> -> memref<!tpu.dma_semaphore, #tpu.memory_space<semaphore_mem>>
        %dma_wait3A_402 = arith.constant 0 : i32
        %dma_wait3A_403 = tpu.memref_slice %arg5[%add3A_391, %dma_wait3A_402] : memref<819200x64xf32, #tpu.memory_space<hbm>> -> memref<400x64xf32, #tpu.memory_space<hbm>>
        %dma_wait3A_404 = arith.constant 0 : i32
        %dma_wait3A_405 = arith.constant 0 : i32
        %dma_wait3A_406 = tpu.memref_slice %arg7[%dma_wait3A_392, %dma_wait3A_404, %dma_wait3A_405] : memref<4x400x64xf32, #tpu.memory_space<vmem>> -> memref<1x400x64xf32, #tpu.memory_space<vmem>>
        %dma_wait3A_407 = tpu.memref_squeeze %dma_wait3A_406 : memref<1x400x64xf32, #tpu.memory_space<vmem>> -> memref<400x64xf32, #tpu.memory_space<vmem>>
        tpu.wait_dma2 semaphore(%dma_wait3A_401 : memref<!tpu.dma_semaphore, #tpu.memory_space<semaphore_mem>>) src(%dma_wait3A_407 : memref<400x64xf32, #tpu.memory_space<vmem>>) dst(%dma_wait3A_403 : memref<400x64xf32, #tpu.memory_space<hbm>>)
        %dma_wait3A_408 = arith.constant 3 : i32
        %dma_wait3A_409 = arith.constant 3 : i32
        %dma_wait3A_410 = arith.constant 0 : i32
        %dma_wait3A_411 = tpu.memref_slice %arg6[%dma_wait3A_408, %dma_wait3A_410] : memref<4x400xi32, #tpu.memory_space<vmem>> -> memref<1x400xi32, #tpu.memory_space<vmem>>
        %dma_wait3A_412 = tpu.memref_squeeze %dma_wait3A_411 : memref<1x400xi32, #tpu.memory_space<vmem>> -> memref<400xi32, #tpu.memory_space<vmem>>
        %dma_wait3A_413 = arith.constant 0 : i32
        %dma_wait3A_414 = tpu.memref_slice %arg2[%dma_wait3A_413] : memref<819200xi32, #tpu.memory_space<hbm>> -> memref<400xi32, #tpu.memory_space<hbm>>
        %dma_wait3A_415 = tpu.memref_slice %arg11[%dma_wait3A_409] : memref<4x!tpu.dma_semaphore, #tpu.memory_space<semaphore_mem>> -> memref<1x!tpu.dma_semaphore, #tpu.memory_space<semaphore_mem>>
        %dma_wait3A_416 = tpu.memref_squeeze %dma_wait3A_415 : memref<1x!tpu.dma_semaphore, #tpu.memory_space<semaphore_mem>> -> memref<!tpu.dma_semaphore, #tpu.memory_space<semaphore_mem>>
        %dma_wait3A_417 = arith.constant 0 : i32
        %dma_wait3A_418 = tpu.memref_slice %arg6[%dma_wait3A_408, %dma_wait3A_417] : memref<4x400xi32, #tpu.memory_space<vmem>> -> memref<1x400xi32, #tpu.memory_space<vmem>>
        %dma_wait3A_419 = tpu.memref_squeeze %dma_wait3A_418 : memref<1x400xi32, #tpu.memory_space<vmem>> -> memref<400xi32, #tpu.memory_space<vmem>>
        %dma_wait3A_420 = arith.constant 0 : i32
        %dma_wait3A_421 = tpu.memref_slice %arg2[%dma_wait3A_420] : memref<819200xi32, #tpu.memory_space<hbm>> -> memref<400xi32, #tpu.memory_space<hbm>>
        tpu.wait_dma2 semaphore(%dma_wait3A_416 : memref<!tpu.dma_semaphore, #tpu.memory_space<semaphore_mem>>) src(%dma_wait3A_421 : memref<400xi32, #tpu.memory_space<hbm>>) dst(%dma_wait3A_419 : memref<400xi32, #tpu.memory_space<vmem>>)
        %dma_start3A_422 = arith.constant 3 : i32
        %dma_start3A_423 = arith.constant 3 : i32
        %dma_start3A_424 = arith.constant 3 : i32
        %dma_start3A_425 = arith.constant 0 : i32
        %dma_start3A_426 = arith.constant 0 : i32
        %dma_start3A_427 = tpu.memref_slice %arg7[%dma_start3A_423, %dma_start3A_425, %dma_start3A_426] : memref<4x400x64xf32, #tpu.memory_space<vmem>> -> memref<1x400x64xf32, #tpu.memory_space<vmem>>
        %dma_start3A_428 = tpu.memref_squeeze %dma_start3A_427 : memref<1x400x64xf32, #tpu.memory_space<vmem>> -> memref<400x64xf32, #tpu.memory_space<vmem>>
        %dma_start3A_429 = arith.constant 0 : i32
        %dma_start3A_430 = tpu.memref_slice %arg6[%dma_start3A_422, %dma_start3A_429] : memref<4x400xi32, #tpu.memory_space<vmem>> -> memref<1x400xi32, #tpu.memory_space<vmem>>
        %dma_start3A_431 = tpu.memref_squeeze %dma_start3A_430 : memref<1x400xi32, #tpu.memory_space<vmem>> -> memref<400xi32, #tpu.memory_space<vmem>>
        %dma_start3A_432 = arith.constant 0 : i32
        %dma_start3A_433 = arith.constant 0 : i32
        %dma_start3A_434 = tpu.memref_slice %arg4[%dma_start3A_432, %dma_start3A_433] : memref<1000000x64xf32, #tpu.memory_space<hbm>> -> memref<1000000x64xf32, #tpu.memory_space<hbm>>
        %dma_start3A_435 = tpu.memref_slice %arg9[%dma_start3A_424] : memref<4x!tpu.dma_semaphore, #tpu.memory_space<semaphore_mem>> -> memref<1x!tpu.dma_semaphore, #tpu.memory_space<semaphore_mem>>
        %dma_start3A_436 = tpu.memref_squeeze %dma_start3A_435 : memref<1x!tpu.dma_semaphore, #tpu.memory_space<semaphore_mem>> -> memref<!tpu.dma_semaphore, #tpu.memory_space<semaphore_mem>>
        tpu.enqueue_indirect_dma source(%dma_start3A_434 : memref<1000000x64xf32, #tpu.memory_space<hbm>>) target(%dma_start3A_428 : memref<400x64xf32, #tpu.memory_space<vmem>>) offsets(%dma_start3A_431 : memref<400xi32, #tpu.memory_space<vmem>>) semaphore(%dma_start3A_436 : memref<!tpu.dma_semaphore, #tpu.memory_space<semaphore_mem>>)
      } else {
      }
      %add3A_207 = arith.constant 1 : i32
      %add3A_208 = arith.addi %add3A_152, %add3A_207 : i32
      %dma_wait3A_209 = arith.constant 1 : i32
      %dma_wait3A_210 = arith.constant 1 : i32
      %dma_wait3A_211 = arith.constant 1 : i32
      %dma_wait3A_212 = arith.constant 0 : i32
      %dma_wait3A_213 = arith.constant 0 : i32
      %dma_wait3A_214 = tpu.memref_slice %arg7[%dma_wait3A_210, %dma_wait3A_212, %dma_wait3A_213] : memref<4x400x64xf32, #tpu.memory_space<vmem>> -> memref<1x400x64xf32, #tpu.memory_space<vmem>>
      %dma_wait3A_215 = tpu.memref_squeeze %dma_wait3A_214 : memref<1x400x64xf32, #tpu.memory_space<vmem>> -> memref<400x64xf32, #tpu.memory_space<vmem>>
      %dma_wait3A_216 = arith.constant 0 : i32
      %dma_wait3A_217 = tpu.memref_slice %arg6[%dma_wait3A_209, %dma_wait3A_216] : memref<4x400xi32, #tpu.memory_space<vmem>> -> memref<1x400xi32, #tpu.memory_space<vmem>>
      %dma_wait3A_218 = tpu.memref_squeeze %dma_wait3A_217 : memref<1x400xi32, #tpu.memory_space<vmem>> -> memref<400xi32, #tpu.memory_space<vmem>>
      %dma_wait3A_219 = arith.constant 0 : i32
      %dma_wait3A_220 = arith.constant 0 : i32
      %dma_wait3A_221 = tpu.memref_slice %arg4[%dma_wait3A_219, %dma_wait3A_220] : memref<1000000x64xf32, #tpu.memory_space<hbm>> -> memref<1000000x64xf32, #tpu.memory_space<hbm>>
      %dma_wait3A_222 = tpu.memref_slice %arg9[%dma_wait3A_211] : memref<4x!tpu.dma_semaphore, #tpu.memory_space<semaphore_mem>> -> memref<1x!tpu.dma_semaphore, #tpu.memory_space<semaphore_mem>>
      %dma_wait3A_223 = tpu.memref_squeeze %dma_wait3A_222 : memref<1x!tpu.dma_semaphore, #tpu.memory_space<semaphore_mem>> -> memref<!tpu.dma_semaphore, #tpu.memory_space<semaphore_mem>>
      tpu.wait_indirect_dma semaphore(%dma_wait3A_223 : memref<!tpu.dma_semaphore, #tpu.memory_space<semaphore_mem>>) src(%dma_wait3A_221 : memref<1000000x64xf32, #tpu.memory_space<hbm>>) dst(%dma_wait3A_215 : memref<400x64xf32, #tpu.memory_space<vmem>>)
      %add3A_224 = arith.constant 4 : i32
      %add3A_225 = arith.addi %add3A_208, %add3A_224 : i32
      %lt3A_226 = arith.constant 64 : i32
      %lt3A_227 = arith.cmpi slt, %add3A_225, %lt3A_226 : i32
      %convert_element_type3A_228 = arith.extui %lt3A_227 : i1 to i32
      %cond3A_229 = arith.constant 0 : i32
      %cond3A_230 = arith.cmpi ne, %convert_element_type3A_228, %cond3A_229 : i32
      scf.if %cond3A_230 {
        %add3A_387 = arith.constant 4 : i32
        %add3A_388 = arith.addi %add3A_208, %add3A_387 : i32
        %mul3A_389 = arith.constant 400 : i32
        %mul3A_390 = arith.muli %add3A_388, %mul3A_389 : i32
        %add3A_391 = arith.addi %mul3A_2, %mul3A_390 : i32
        %dma_start3A_392 = arith.constant 1 : i32
        %dma_start3A_393 = arith.constant 1 : i32
        %dma_start3A_394 = arith.constant 0 : i32
        %dma_start3A_395 = tpu.memref_slice %arg6[%dma_start3A_392, %dma_start3A_394] : memref<4x400xi32, #tpu.memory_space<vmem>> -> memref<1x400xi32, #tpu.memory_space<vmem>>
        %dma_start3A_396 = tpu.memref_squeeze %dma_start3A_395 : memref<1x400xi32, #tpu.memory_space<vmem>> -> memref<400xi32, #tpu.memory_space<vmem>>
        %dma_start3A_397 = tpu.memref_slice %arg2[%add3A_391] : memref<819200xi32, #tpu.memory_space<hbm>> -> memref<400xi32, #tpu.memory_space<hbm>>
        %dma_start3A_398 = tpu.memref_slice %arg11[%dma_start3A_393] : memref<4x!tpu.dma_semaphore, #tpu.memory_space<semaphore_mem>> -> memref<1x!tpu.dma_semaphore, #tpu.memory_space<semaphore_mem>>
        %dma_start3A_399 = tpu.memref_squeeze %dma_start3A_398 : memref<1x!tpu.dma_semaphore, #tpu.memory_space<semaphore_mem>> -> memref<!tpu.dma_semaphore, #tpu.memory_space<semaphore_mem>>
        %dma_start3A_400 = arith.constant 0 : i32
        %dma_start3A_401 = tpu.memref_slice %arg6[%dma_start3A_392, %dma_start3A_400] : memref<4x400xi32, #tpu.memory_space<vmem>> -> memref<1x400xi32, #tpu.memory_space<vmem>>
        %dma_start3A_402 = tpu.memref_squeeze %dma_start3A_401 : memref<1x400xi32, #tpu.memory_space<vmem>> -> memref<400xi32, #tpu.memory_space<vmem>>
        %dma_start3A_403 = tpu.memref_slice %arg2[%add3A_391] : memref<819200xi32, #tpu.memory_space<hbm>> -> memref<400xi32, #tpu.memory_space<hbm>>
        tpu.enqueue_dma source(%dma_start3A_403 : memref<400xi32, #tpu.memory_space<hbm>>) target(%dma_start3A_402 : memref<400xi32, #tpu.memory_space<vmem>>) target_semaphore(%dma_start3A_399 : memref<!tpu.dma_semaphore, #tpu.memory_space<semaphore_mem>>)
      } else {
      }
      %scan3A_231 = arith.constant 0 : i32
      %scan3A_232 = arith.constant 200 : i32
      %scan3A_233 = arith.addi %scan3A_231, %scan3A_232 : i32
      %scan3A_234 = arith.constant 1 : i32
      scf.for %scan3A_387 = %scan3A_231 to %scan3A_233 step %scan3A_234  : i32 {
        %mul3A_388 = arith.constant 1 : i32
        %mul3A_389 = arith.muli %scan3A_387, %mul3A_388 : i32
        %add3A_390 = arith.constant 0 : i32
        %add3A_391 = arith.addi %add3A_390, %mul3A_389 : i32
        %get3A = arith.index_cast %add3A_391 : i32 to index
        %get3A_392 = arith.constant 0 : index
        %get3A_393 = tpu.vector_load %arg8[%get3A, %get3A_392] {strides = array<i32>} : memref<200x64xf32, #tpu.memory_space<vmem>>, vector<16xf32>,
        %add3A_394 = arith.constant 0 : i32
        %add3A_395 = arith.addi %add3A_391, %add3A_394 : i32
        %get3A_396 = arith.constant 1 : i32
        %get3A_397 = arith.index_cast %get3A_396 : i32 to index
        %get3A_398 = arith.index_cast %add3A_395 : i32 to index
        %get3A_399 = arith.constant 0 : index
        %get3A_400 = tpu.vector_load %arg7[%get3A_397, %get3A_398, %get3A_399] {strides = array<i32>} : memref<4x400x64xf32, #tpu.memory_space<vmem>>, vector<16xf32>,
        %add3A_401 = arith.addf %get3A_400, %get3A_393 : vector<16xf32>
        %swap3A = arith.constant 1 : i32
        %swap3A_402 = arith.index_cast %swap3A : i32 to index
        %swap3A_403 = arith.index_cast %add3A_395 : i32 to index
        %swap3A_404 = arith.constant 0 : index
        %swap3A_405 = tpu.vector_load %arg7[%swap3A_402, %swap3A_403, %swap3A_404] {strides = array<i32>} : memref<4x400x64xf32, #tpu.memory_space<vmem>>, vector<16xf32>,
        tpu.vector_store %arg7[%swap3A_402, %swap3A_403, %swap3A_404], %add3A_401 {strides = array<i32>} : memref<4x400x64xf32, #tpu.memory_space<vmem>>, vector<16xf32>,
        %add3A_406 = arith.constant 200 : i32
        %add3A_407 = arith.addi %add3A_391, %add3A_406 : i32
        %get3A_408 = arith.constant 1 : i32
        %get3A_409 = arith.index_cast %get3A_408 : i32 to index
        %get3A_410 = arith.index_cast %add3A_407 : i32 to index
        %get3A_411 = arith.constant 0 : index
        %get3A_412 = tpu.vector_load %arg7[%get3A_409, %get3A_410, %get3A_411] {strides = array<i32>} : memref<4x400x64xf32, #tpu.memory_space<vmem>>, vector<16xf32>,
        %add3A_413 = arith.addf %get3A_412, %get3A_393 : vector<16xf32>
        %swap3A_414 = arith.constant 1 : i32
        %swap3A_415 = arith.index_cast %swap3A_414 : i32 to index
        %swap3A_416 = arith.index_cast %add3A_407 : i32 to index
        %swap3A_417 = arith.constant 0 : index
        %swap3A_418 = tpu.vector_load %arg7[%swap3A_415, %swap3A_416, %swap3A_417] {strides = array<i32>} : memref<4x400x64xf32, #tpu.memory_space<vmem>>, vector<16xf32>,
        tpu.vector_store %arg7[%swap3A_415, %swap3A_416, %swap3A_417], %add3A_413 {strides = array<i32>} : memref<4x400x64xf32, #tpu.memory_space<vmem>>, vector<16xf32>,
        %get3A_419 = arith.index_cast %add3A_391 : i32 to index
        %get3A_420 = arith.constant 16 : index
        %get3A_421 = tpu.vector_load %arg8[%get3A_419, %get3A_420] {strides = array<i32>} : memref<200x64xf32, #tpu.memory_space<vmem>>, vector<16xf32>,
        %add3A_422 = arith.constant 0 : i32
        %add3A_423 = arith.addi %add3A_391, %add3A_422 : i32
        %get3A_424 = arith.constant 1 : i32
        %get3A_425 = arith.index_cast %get3A_424 : i32 to index
        %get3A_426 = arith.index_cast %add3A_423 : i32 to index
        %get3A_427 = arith.constant 16 : index
        %get3A_428 = tpu.vector_load %arg7[%get3A_425, %get3A_426, %get3A_427] {strides = array<i32>} : memref<4x400x64xf32, #tpu.memory_space<vmem>>, vector<16xf32>,
        %add3A_429 = arith.addf %get3A_428, %get3A_421 : vector<16xf32>
        %swap3A_430 = arith.constant 1 : i32
        %swap3A_431 = arith.index_cast %swap3A_430 : i32 to index
        %swap3A_432 = arith.index_cast %add3A_423 : i32 to index
        %swap3A_433 = arith.constant 16 : index
        %swap3A_434 = tpu.vector_load %arg7[%swap3A_431, %swap3A_432, %swap3A_433] {strides = array<i32>} : memref<4x400x64xf32, #tpu.memory_space<vmem>>, vector<16xf32>,
        tpu.vector_store %arg7[%swap3A_431, %swap3A_432, %swap3A_433], %add3A_429 {strides = array<i32>} : memref<4x400x64xf32, #tpu.memory_space<vmem>>, vector<16xf32>,
        %add3A_435 = arith.constant 200 : i32
        %add3A_436 = arith.addi %add3A_391, %add3A_435 : i32
        %get3A_437 = arith.constant 1 : i32
        %get3A_438 = arith.index_cast %get3A_437 : i32 to index
        %get3A_439 = arith.index_cast %add3A_436 : i32 to index
        %get3A_440 = arith.constant 16 : index
        %get3A_441 = tpu.vector_load %arg7[%get3A_438, %get3A_439, %get3A_440] {strides = array<i32>} : memref<4x400x64xf32, #tpu.memory_space<vmem>>, vector<16xf32>,
        %add3A_442 = arith.addf %get3A_441, %get3A_421 : vector<16xf32>
        %swap3A_443 = arith.constant 1 : i32
        %swap3A_444 = arith.index_cast %swap3A_443 : i32 to index
        %swap3A_445 = arith.index_cast %add3A_436 : i32 to index
        %swap3A_446 = arith.constant 16 : index
        %swap3A_447 = tpu.vector_load %arg7[%swap3A_444, %swap3A_445, %swap3A_446] {strides = array<i32>} : memref<4x400x64xf32, #tpu.memory_space<vmem>>, vector<16xf32>,
        tpu.vector_store %arg7[%swap3A_444, %swap3A_445, %swap3A_446], %add3A_442 {strides = array<i32>} : memref<4x400x64xf32, #tpu.memory_space<vmem>>, vector<16xf32>,
        %get3A_448 = arith.index_cast %add3A_391 : i32 to index
        %get3A_449 = arith.constant 32 : index
        %get3A_450 = tpu.vector_load %arg8[%get3A_448, %get3A_449] {strides = array<i32>} : memref<200x64xf32, #tpu.memory_space<vmem>>, vector<16xf32>,
        %add3A_451 = arith.constant 0 : i32
        %add3A_452 = arith.addi %add3A_391, %add3A_451 : i32
        %get3A_453 = arith.constant 1 : i32
        %get3A_454 = arith.index_cast %get3A_453 : i32 to index
        %get3A_455 = arith.index_cast %add3A_452 : i32 to index
        %get3A_456 = arith.constant 32 : index
        %get3A_457 = tpu.vector_load %arg7[%get3A_454, %get3A_455, %get3A_456] {strides = array<i32>} : memref<4x400x64xf32, #tpu.memory_space<vmem>>, vector<16xf32>,
        %add3A_458 = arith.addf %get3A_457, %get3A_450 : vector<16xf32>
        %swap3A_459 = arith.constant 1 : i32
        %swap3A_460 = arith.index_cast %swap3A_459 : i32 to index
        %swap3A_461 = arith.index_cast %add3A_452 : i32 to index
        %swap3A_462 = arith.constant 32 : index
        %swap3A_463 = tpu.vector_load %arg7[%swap3A_460, %swap3A_461, %swap3A_462] {strides = array<i32>} : memref<4x400x64xf32, #tpu.memory_space<vmem>>, vector<16xf32>,
        tpu.vector_store %arg7[%swap3A_460, %swap3A_461, %swap3A_462], %add3A_458 {strides = array<i32>} : memref<4x400x64xf32, #tpu.memory_space<vmem>>, vector<16xf32>,
        %add3A_464 = arith.constant 200 : i32
        %add3A_465 = arith.addi %add3A_391, %add3A_464 : i32
        %get3A_466 = arith.constant 1 : i32
        %get3A_467 = arith.index_cast %get3A_466 : i32 to index
        %get3A_468 = arith.index_cast %add3A_465 : i32 to index
        %get3A_469 = arith.constant 32 : index
        %get3A_470 = tpu.vector_load %arg7[%get3A_467, %get3A_468, %get3A_469] {strides = array<i32>} : memref<4x400x64xf32, #tpu.memory_space<vmem>>, vector<16xf32>,
        %add3A_471 = arith.addf %get3A_470, %get3A_450 : vector<16xf32>
        %swap3A_472 = arith.constant 1 : i32
        %swap3A_473 = arith.index_cast %swap3A_472 : i32 to index
        %swap3A_474 = arith.index_cast %add3A_465 : i32 to index
        %swap3A_475 = arith.constant 32 : index
        %swap3A_476 = tpu.vector_load %arg7[%swap3A_473, %swap3A_474, %swap3A_475] {strides = array<i32>} : memref<4x400x64xf32, #tpu.memory_space<vmem>>, vector<16xf32>,
        tpu.vector_store %arg7[%swap3A_473, %swap3A_474, %swap3A_475], %add3A_471 {strides = array<i32>} : memref<4x400x64xf32, #tpu.memory_space<vmem>>, vector<16xf32>,
        %get3A_477 = arith.index_cast %add3A_391 : i32 to index
        %get3A_478 = arith.constant 48 : index
        %get3A_479 = tpu.vector_load %arg8[%get3A_477, %get3A_478] {strides = array<i32>} : memref<200x64xf32, #tpu.memory_space<vmem>>, vector<16xf32>,
        %add3A_480 = arith.constant 0 : i32
        %add3A_481 = arith.addi %add3A_391, %add3A_480 : i32
        %get3A_482 = arith.constant 1 : i32
        %get3A_483 = arith.index_cast %get3A_482 : i32 to index
        %get3A_484 = arith.index_cast %add3A_481 : i32 to index
        %get3A_485 = arith.constant 48 : index
        %get3A_486 = tpu.vector_load %arg7[%get3A_483, %get3A_484, %get3A_485] {strides = array<i32>} : memref<4x400x64xf32, #tpu.memory_space<vmem>>, vector<16xf32>,
        %add3A_487 = arith.addf %get3A_486, %get3A_479 : vector<16xf32>
        %swap3A_488 = arith.constant 1 : i32
        %swap3A_489 = arith.index_cast %swap3A_488 : i32 to index
        %swap3A_490 = arith.index_cast %add3A_481 : i32 to index
        %swap3A_491 = arith.constant 48 : index
        %swap3A_492 = tpu.vector_load %arg7[%swap3A_489, %swap3A_490, %swap3A_491] {strides = array<i32>} : memref<4x400x64xf32, #tpu.memory_space<vmem>>, vector<16xf32>,
        tpu.vector_store %arg7[%swap3A_489, %swap3A_490, %swap3A_491], %add3A_487 {strides = array<i32>} : memref<4x400x64xf32, #tpu.memory_space<vmem>>, vector<16xf32>,
        %add3A_493 = arith.constant 200 : i32
        %add3A_494 = arith.addi %add3A_391, %add3A_493 : i32
        %get3A_495 = arith.constant 1 : i32
        %get3A_496 = arith.index_cast %get3A_495 : i32 to index
        %get3A_497 = arith.index_cast %add3A_494 : i32 to index
        %get3A_498 = arith.constant 48 : index
        %get3A_499 = tpu.vector_load %arg7[%get3A_496, %get3A_497, %get3A_498] {strides = array<i32>} : memref<4x400x64xf32, #tpu.memory_space<vmem>>, vector<16xf32>,
        %add3A_500 = arith.addf %get3A_499, %get3A_479 : vector<16xf32>
        %swap3A_501 = arith.constant 1 : i32
        %swap3A_502 = arith.index_cast %swap3A_501 : i32 to index
        %swap3A_503 = arith.index_cast %add3A_494 : i32 to index
        %swap3A_504 = arith.constant 48 : index
        %swap3A_505 = tpu.vector_load %arg7[%swap3A_502, %swap3A_503, %swap3A_504] {strides = array<i32>} : memref<4x400x64xf32, #tpu.memory_space<vmem>>, vector<16xf32>,
        tpu.vector_store %arg7[%swap3A_502, %swap3A_503, %swap3A_504], %add3A_500 {strides = array<i32>} : memref<4x400x64xf32, #tpu.memory_space<vmem>>, vector<16xf32>,
      }
      %scan3A_235 = arith.constant 200 : i32
      %mul3A_236 = arith.constant 400 : i32
      %mul3A_237 = arith.muli %add3A_208, %mul3A_236 : i32
      %add3A_238 = arith.addi %mul3A_2, %mul3A_237 : i32
      %dma_start3A_239 = arith.constant 1 : i32
      %dma_start3A_240 = arith.constant 1 : i32
      %dma_start3A_241 = arith.constant 0 : i32
      %dma_start3A_242 = arith.constant 0 : i32
      %dma_start3A_243 = tpu.memref_slice %arg7[%dma_start3A_239, %dma_start3A_241, %dma_start3A_242] : memref<4x400x64xf32, #tpu.memory_space<vmem>> -> memref<1x400x64xf32, #tpu.memory_space<vmem>>
      %dma_start3A_244 = tpu.memref_squeeze %dma_start3A_243 : memref<1x400x64xf32, #tpu.memory_space<vmem>> -> memref<400x64xf32, #tpu.memory_space<vmem>>
      %dma_start3A_245 = arith.constant 0 : i32
      %dma_start3A_246 = tpu.memref_slice %arg5[%add3A_238, %dma_start3A_245] : memref<819200x64xf32, #tpu.memory_space<hbm>> -> memref<400x64xf32, #tpu.memory_space<hbm>>
      %dma_start3A_247 = tpu.memref_slice %arg10[%dma_start3A_240] : memref<4x!tpu.dma_semaphore, #tpu.memory_space<semaphore_mem>> -> memref<1x!tpu.dma_semaphore, #tpu.memory_space<semaphore_mem>>
      %dma_start3A_248 = tpu.memref_squeeze %dma_start3A_247 : memref<1x!tpu.dma_semaphore, #tpu.memory_space<semaphore_mem>> -> memref<!tpu.dma_semaphore, #tpu.memory_space<semaphore_mem>>
      %dma_start3A_249 = arith.constant 0 : i32
      %dma_start3A_250 = tpu.memref_slice %arg5[%add3A_238, %dma_start3A_249] : memref<819200x64xf32, #tpu.memory_space<hbm>> -> memref<400x64xf32, #tpu.memory_space<hbm>>
      %dma_start3A_251 = arith.constant 0 : i32
      %dma_start3A_252 = arith.constant 0 : i32
      %dma_start3A_253 = tpu.memref_slice %arg7[%dma_start3A_239, %dma_start3A_251, %dma_start3A_252] : memref<4x400x64xf32, #tpu.memory_space<vmem>> -> memref<1x400x64xf32, #tpu.memory_space<vmem>>
      %dma_start3A_254 = tpu.memref_squeeze %dma_start3A_253 : memref<1x400x64xf32, #tpu.memory_space<vmem>> -> memref<400x64xf32, #tpu.memory_space<vmem>>
      tpu.enqueue_dma source(%dma_start3A_254 : memref<400x64xf32, #tpu.memory_space<vmem>>) target(%dma_start3A_250 : memref<400x64xf32, #tpu.memory_space<hbm>>) target_semaphore(%dma_start3A_248 : memref<!tpu.dma_semaphore, #tpu.memory_space<semaphore_mem>>)
      %sub3A_255 = arith.constant 1 : i32
      %sub3A_256 = arith.subi %add3A_208, %sub3A_255 : i32
      %add3A_257 = arith.constant 4 : i32
      %add3A_258 = arith.addi %sub3A_256, %add3A_257 : i32
      %ge3A_259 = arith.constant 4 : i32
      %ge3A_260 = arith.cmpi sge, %add3A_258, %ge3A_259 : i32
      %lt3A_261 = arith.constant 64 : i32
      %lt3A_262 = arith.cmpi slt, %add3A_258, %lt3A_261 : i32
      %and3A_263 = arith.andi %ge3A_260, %lt3A_262 : i1
      %convert_element_type3A_264 = arith.extui %and3A_263 : i1 to i32
      %cond3A_265 = arith.constant 0 : i32
      %cond3A_266 = arith.cmpi ne, %convert_element_type3A_264, %cond3A_265 : i32
      scf.if %cond3A_266 {
        %sub3A_387 = arith.constant 4 : i32
        %sub3A_388 = arith.subi %add3A_258, %sub3A_387 : i32
        %mul3A_389 = arith.constant 400 : i32
        %mul3A_390 = arith.muli %sub3A_388, %mul3A_389 : i32
        %add3A_391 = arith.addi %mul3A_2, %mul3A_390 : i32
        %dma_wait3A_392 = arith.constant 0 : i32
        %dma_wait3A_393 = arith.constant 0 : i32
        %dma_wait3A_394 = arith.constant 0 : i32
        %dma_wait3A_395 = arith.constant 0 : i32
        %dma_wait3A_396 = tpu.memref_slice %arg7[%dma_wait3A_392, %dma_wait3A_394, %dma_wait3A_395] : memref<4x400x64xf32, #tpu.memory_space<vmem>> -> memref<1x400x64xf32, #tpu.memory_space<vmem>>
        %dma_wait3A_397 = tpu.memref_squeeze %dma_wait3A_396 : memref<1x400x64xf32, #tpu.memory_space<vmem>> -> memref<400x64xf32, #tpu.memory_space<vmem>>
        %dma_wait3A_398 = arith.constant 0 : i32
        %dma_wait3A_399 = tpu.memref_slice %arg5[%add3A_391, %dma_wait3A_398] : memref<819200x64xf32, #tpu.memory_space<hbm>> -> memref<400x64xf32, #tpu.memory_space<hbm>>
        %dma_wait3A_400 = tpu.memref_slice %arg10[%dma_wait3A_393] : memref<4x!tpu.dma_semaphore, #tpu.memory_space<semaphore_mem>> -> memref<1x!tpu.dma_semaphore, #tpu.memory_space<semaphore_mem>>
        %dma_wait3A_401 = tpu.memref_squeeze %dma_wait3A_400 : memref<1x!tpu.dma_semaphore, #tpu.memory_space<semaphore_mem>> -> memref<!tpu.dma_semaphore, #tpu.memory_space<semaphore_mem>>
        %dma_wait3A_402 = arith.constant 0 : i32
        %dma_wait3A_403 = tpu.memref_slice %arg5[%add3A_391, %dma_wait3A_402] : memref<819200x64xf32, #tpu.memory_space<hbm>> -> memref<400x64xf32, #tpu.memory_space<hbm>>
        %dma_wait3A_404 = arith.constant 0 : i32
        %dma_wait3A_405 = arith.constant 0 : i32
        %dma_wait3A_406 = tpu.memref_slice %arg7[%dma_wait3A_392, %dma_wait3A_404, %dma_wait3A_405] : memref<4x400x64xf32, #tpu.memory_space<vmem>> -> memref<1x400x64xf32, #tpu.memory_space<vmem>>
        %dma_wait3A_407 = tpu.memref_squeeze %dma_wait3A_406 : memref<1x400x64xf32, #tpu.memory_space<vmem>> -> memref<400x64xf32, #tpu.memory_space<vmem>>
        tpu.wait_dma2 semaphore(%dma_wait3A_401 : memref<!tpu.dma_semaphore, #tpu.memory_space<semaphore_mem>>) src(%dma_wait3A_407 : memref<400x64xf32, #tpu.memory_space<vmem>>) dst(%dma_wait3A_403 : memref<400x64xf32, #tpu.memory_space<hbm>>)
        %dma_wait3A_408 = arith.constant 0 : i32
        %dma_wait3A_409 = arith.constant 0 : i32
        %dma_wait3A_410 = arith.constant 0 : i32
        %dma_wait3A_411 = tpu.memref_slice %arg6[%dma_wait3A_408, %dma_wait3A_410] : memref<4x400xi32, #tpu.memory_space<vmem>> -> memref<1x400xi32, #tpu.memory_space<vmem>>
        %dma_wait3A_412 = tpu.memref_squeeze %dma_wait3A_411 : memref<1x400xi32, #tpu.memory_space<vmem>> -> memref<400xi32, #tpu.memory_space<vmem>>
        %dma_wait3A_413 = arith.constant 0 : i32
        %dma_wait3A_414 = tpu.memref_slice %arg2[%dma_wait3A_413] : memref<819200xi32, #tpu.memory_space<hbm>> -> memref<400xi32, #tpu.memory_space<hbm>>
        %dma_wait3A_415 = tpu.memref_slice %arg11[%dma_wait3A_409] : memref<4x!tpu.dma_semaphore, #tpu.memory_space<semaphore_mem>> -> memref<1x!tpu.dma_semaphore, #tpu.memory_space<semaphore_mem>>
        %dma_wait3A_416 = tpu.memref_squeeze %dma_wait3A_415 : memref<1x!tpu.dma_semaphore, #tpu.memory_space<semaphore_mem>> -> memref<!tpu.dma_semaphore, #tpu.memory_space<semaphore_mem>>
        %dma_wait3A_417 = arith.constant 0 : i32
        %dma_wait3A_418 = tpu.memref_slice %arg6[%dma_wait3A_408, %dma_wait3A_417] : memref<4x400xi32, #tpu.memory_space<vmem>> -> memref<1x400xi32, #tpu.memory_space<vmem>>
        %dma_wait3A_419 = tpu.memref_squeeze %dma_wait3A_418 : memref<1x400xi32, #tpu.memory_space<vmem>> -> memref<400xi32, #tpu.memory_space<vmem>>
        %dma_wait3A_420 = arith.constant 0 : i32
        %dma_wait3A_421 = tpu.memref_slice %arg2[%dma_wait3A_420] : memref<819200xi32, #tpu.memory_space<hbm>> -> memref<400xi32, #tpu.memory_space<hbm>>
        tpu.wait_dma2 semaphore(%dma_wait3A_416 : memref<!tpu.dma_semaphore, #tpu.memory_space<semaphore_mem>>) src(%dma_wait3A_421 : memref<400xi32, #tpu.memory_space<hbm>>) dst(%dma_wait3A_419 : memref<400xi32, #tpu.memory_space<vmem>>)
        %dma_start3A_422 = arith.constant 0 : i32
        %dma_start3A_423 = arith.constant 0 : i32
        %dma_start3A_424 = arith.constant 0 : i32
        %dma_start3A_425 = arith.constant 0 : i32
        %dma_start3A_426 = arith.constant 0 : i32
        %dma_start3A_427 = tpu.memref_slice %arg7[%dma_start3A_423, %dma_start3A_425, %dma_start3A_426] : memref<4x400x64xf32, #tpu.memory_space<vmem>> -> memref<1x400x64xf32, #tpu.memory_space<vmem>>
        %dma_start3A_428 = tpu.memref_squeeze %dma_start3A_427 : memref<1x400x64xf32, #tpu.memory_space<vmem>> -> memref<400x64xf32, #tpu.memory_space<vmem>>
        %dma_start3A_429 = arith.constant 0 : i32
        %dma_start3A_430 = tpu.memref_slice %arg6[%dma_start3A_422, %dma_start3A_429] : memref<4x400xi32, #tpu.memory_space<vmem>> -> memref<1x400xi32, #tpu.memory_space<vmem>>
        %dma_start3A_431 = tpu.memref_squeeze %dma_start3A_430 : memref<1x400xi32, #tpu.memory_space<vmem>> -> memref<400xi32, #tpu.memory_space<vmem>>
        %dma_start3A_432 = arith.constant 0 : i32
        %dma_start3A_433 = arith.constant 0 : i32
        %dma_start3A_434 = tpu.memref_slice %arg4[%dma_start3A_432, %dma_start3A_433] : memref<1000000x64xf32, #tpu.memory_space<hbm>> -> memref<1000000x64xf32, #tpu.memory_space<hbm>>
        %dma_start3A_435 = tpu.memref_slice %arg9[%dma_start3A_424] : memref<4x!tpu.dma_semaphore, #tpu.memory_space<semaphore_mem>> -> memref<1x!tpu.dma_semaphore, #tpu.memory_space<semaphore_mem>>
        %dma_start3A_436 = tpu.memref_squeeze %dma_start3A_435 : memref<1x!tpu.dma_semaphore, #tpu.memory_space<semaphore_mem>> -> memref<!tpu.dma_semaphore, #tpu.memory_space<semaphore_mem>>
        tpu.enqueue_indirect_dma source(%dma_start3A_434 : memref<1000000x64xf32, #tpu.memory_space<hbm>>) target(%dma_start3A_428 : memref<400x64xf32, #tpu.memory_space<vmem>>) offsets(%dma_start3A_431 : memref<400xi32, #tpu.memory_space<vmem>>) semaphore(%dma_start3A_436 : memref<!tpu.dma_semaphore, #tpu.memory_space<semaphore_mem>>)
      } else {
      }
      %add3A_267 = arith.constant 2 : i32
      %add3A_268 = arith.addi %add3A_152, %add3A_267 : i32
      %dma_wait3A_269 = arith.constant 2 : i32
      %dma_wait3A_270 = arith.constant 2 : i32
      %dma_wait3A_271 = arith.constant 2 : i32
      %dma_wait3A_272 = arith.constant 0 : i32
      %dma_wait3A_273 = arith.constant 0 : i32
      %dma_wait3A_274 = tpu.memref_slice %arg7[%dma_wait3A_270, %dma_wait3A_272, %dma_wait3A_273] : memref<4x400x64xf32, #tpu.memory_space<vmem>> -> memref<1x400x64xf32, #tpu.memory_space<vmem>>
      %dma_wait3A_275 = tpu.memref_squeeze %dma_wait3A_274 : memref<1x400x64xf32, #tpu.memory_space<vmem>> -> memref<400x64xf32, #tpu.memory_space<vmem>>
      %dma_wait3A_276 = arith.constant 0 : i32
      %dma_wait3A_277 = tpu.memref_slice %arg6[%dma_wait3A_269, %dma_wait3A_276] : memref<4x400xi32, #tpu.memory_space<vmem>> -> memref<1x400xi32, #tpu.memory_space<vmem>>
      %dma_wait3A_278 = tpu.memref_squeeze %dma_wait3A_277 : memref<1x400xi32, #tpu.memory_space<vmem>> -> memref<400xi32, #tpu.memory_space<vmem>>
      %dma_wait3A_279 = arith.constant 0 : i32
      %dma_wait3A_280 = arith.constant 0 : i32
      %dma_wait3A_281 = tpu.memref_slice %arg4[%dma_wait3A_279, %dma_wait3A_280] : memref<1000000x64xf32, #tpu.memory_space<hbm>> -> memref<1000000x64xf32, #tpu.memory_space<hbm>>
      %dma_wait3A_282 = tpu.memref_slice %arg9[%dma_wait3A_271] : memref<4x!tpu.dma_semaphore, #tpu.memory_space<semaphore_mem>> -> memref<1x!tpu.dma_semaphore, #tpu.memory_space<semaphore_mem>>
      %dma_wait3A_283 = tpu.memref_squeeze %dma_wait3A_282 : memref<1x!tpu.dma_semaphore, #tpu.memory_space<semaphore_mem>> -> memref<!tpu.dma_semaphore, #tpu.memory_space<semaphore_mem>>
      tpu.wait_indirect_dma semaphore(%dma_wait3A_283 : memref<!tpu.dma_semaphore, #tpu.memory_space<semaphore_mem>>) src(%dma_wait3A_281 : memref<1000000x64xf32, #tpu.memory_space<hbm>>) dst(%dma_wait3A_275 : memref<400x64xf32, #tpu.memory_space<vmem>>)
      %add3A_284 = arith.constant 4 : i32
      %add3A_285 = arith.addi %add3A_268, %add3A_284 : i32
      %lt3A_286 = arith.constant 64 : i32
      %lt3A_287 = arith.cmpi slt, %add3A_285, %lt3A_286 : i32
      %convert_element_type3A_288 = arith.extui %lt3A_287 : i1 to i32
      %cond3A_289 = arith.constant 0 : i32
      %cond3A_290 = arith.cmpi ne, %convert_element_type3A_288, %cond3A_289 : i32
      scf.if %cond3A_290 {
        %add3A_387 = arith.constant 4 : i32
        %add3A_388 = arith.addi %add3A_268, %add3A_387 : i32
        %mul3A_389 = arith.constant 400 : i32
        %mul3A_390 = arith.muli %add3A_388, %mul3A_389 : i32
        %add3A_391 = arith.addi %mul3A_2, %mul3A_390 : i32
        %dma_start3A_392 = arith.constant 2 : i32
        %dma_start3A_393 = arith.constant 2 : i32
        %dma_start3A_394 = arith.constant 0 : i32
        %dma_start3A_395 = tpu.memref_slice %arg6[%dma_start3A_392, %dma_start3A_394] : memref<4x400xi32, #tpu.memory_space<vmem>> -> memref<1x400xi32, #tpu.memory_space<vmem>>
        %dma_start3A_396 = tpu.memref_squeeze %dma_start3A_395 : memref<1x400xi32, #tpu.memory_space<vmem>> -> memref<400xi32, #tpu.memory_space<vmem>>
        %dma_start3A_397 = tpu.memref_slice %arg2[%add3A_391] : memref<819200xi32, #tpu.memory_space<hbm>> -> memref<400xi32, #tpu.memory_space<hbm>>
        %dma_start3A_398 = tpu.memref_slice %arg11[%dma_start3A_393] : memref<4x!tpu.dma_semaphore, #tpu.memory_space<semaphore_mem>> -> memref<1x!tpu.dma_semaphore, #tpu.memory_space<semaphore_mem>>
        %dma_start3A_399 = tpu.memref_squeeze %dma_start3A_398 : memref<1x!tpu.dma_semaphore, #tpu.memory_space<semaphore_mem>> -> memref<!tpu.dma_semaphore, #tpu.memory_space<semaphore_mem>>
        %dma_start3A_400 = arith.constant 0 : i32
        %dma_start3A_401 = tpu.memref_slice %arg6[%dma_start3A_392, %dma_start3A_400] : memref<4x400xi32, #tpu.memory_space<vmem>> -> memref<1x400xi32, #tpu.memory_space<vmem>>
        %dma_start3A_402 = tpu.memref_squeeze %dma_start3A_401 : memref<1x400xi32, #tpu.memory_space<vmem>> -> memref<400xi32, #tpu.memory_space<vmem>>
        %dma_start3A_403 = tpu.memref_slice %arg2[%add3A_391] : memref<819200xi32, #tpu.memory_space<hbm>> -> memref<400xi32, #tpu.memory_space<hbm>>
        tpu.enqueue_dma source(%dma_start3A_403 : memref<400xi32, #tpu.memory_space<hbm>>) target(%dma_start3A_402 : memref<400xi32, #tpu.memory_space<vmem>>) target_semaphore(%dma_start3A_399 : memref<!tpu.dma_semaphore, #tpu.memory_space<semaphore_mem>>)
      } else {
      }
      %scan3A_291 = arith.constant 0 : i32
      %scan3A_292 = arith.constant 200 : i32
      %scan3A_293 = arith.addi %scan3A_291, %scan3A_292 : i32
      %scan3A_294 = arith.constant 1 : i32
      scf.for %scan3A_387 = %scan3A_291 to %scan3A_293 step %scan3A_294  : i32 {
        %mul3A_388 = arith.constant 1 : i32
        %mul3A_389 = arith.muli %scan3A_387, %mul3A_388 : i32
        %add3A_390 = arith.constant 0 : i32
        %add3A_391 = arith.addi %add3A_390, %mul3A_389 : i32
        %get3A = arith.index_cast %add3A_391 : i32 to index
        %get3A_392 = arith.constant 0 : index
        %get3A_393 = tpu.vector_load %arg8[%get3A, %get3A_392] {strides = array<i32>} : memref<200x64xf32, #tpu.memory_space<vmem>>, vector<16xf32>,
        %add3A_394 = arith.constant 0 : i32
        %add3A_395 = arith.addi %add3A_391, %add3A_394 : i32
        %get3A_396 = arith.constant 2 : i32
        %get3A_397 = arith.index_cast %get3A_396 : i32 to index
        %get3A_398 = arith.index_cast %add3A_395 : i32 to index
        %get3A_399 = arith.constant 0 : index
        %get3A_400 = tpu.vector_load %arg7[%get3A_397, %get3A_398, %get3A_399] {strides = array<i32>} : memref<4x400x64xf32, #tpu.memory_space<vmem>>, vector<16xf32>,
        %add3A_401 = arith.addf %get3A_400, %get3A_393 : vector<16xf32>
        %swap3A = arith.constant 2 : i32
        %swap3A_402 = arith.index_cast %swap3A : i32 to index
        %swap3A_403 = arith.index_cast %add3A_395 : i32 to index
        %swap3A_404 = arith.constant 0 : index
        %swap3A_405 = tpu.vector_load %arg7[%swap3A_402, %swap3A_403, %swap3A_404] {strides = array<i32>} : memref<4x400x64xf32, #tpu.memory_space<vmem>>, vector<16xf32>,
        tpu.vector_store %arg7[%swap3A_402, %swap3A_403, %swap3A_404], %add3A_401 {strides = array<i32>} : memref<4x400x64xf32, #tpu.memory_space<vmem>>, vector<16xf32>,
        %add3A_406 = arith.constant 200 : i32
        %add3A_407 = arith.addi %add3A_391, %add3A_406 : i32
        %get3A_408 = arith.constant 2 : i32
        %get3A_409 = arith.index_cast %get3A_408 : i32 to index
        %get3A_410 = arith.index_cast %add3A_407 : i32 to index
        %get3A_411 = arith.constant 0 : index
        %get3A_412 = tpu.vector_load %arg7[%get3A_409, %get3A_410, %get3A_411] {strides = array<i32>} : memref<4x400x64xf32, #tpu.memory_space<vmem>>, vector<16xf32>,
        %add3A_413 = arith.addf %get3A_412, %get3A_393 : vector<16xf32>
        %swap3A_414 = arith.constant 2 : i32
        %swap3A_415 = arith.index_cast %swap3A_414 : i32 to index
        %swap3A_416 = arith.index_cast %add3A_407 : i32 to index
        %swap3A_417 = arith.constant 0 : index
        %swap3A_418 = tpu.vector_load %arg7[%swap3A_415, %swap3A_416, %swap3A_417] {strides = array<i32>} : memref<4x400x64xf32, #tpu.memory_space<vmem>>, vector<16xf32>,
        tpu.vector_store %arg7[%swap3A_415, %swap3A_416, %swap3A_417], %add3A_413 {strides = array<i32>} : memref<4x400x64xf32, #tpu.memory_space<vmem>>, vector<16xf32>,
        %get3A_419 = arith.index_cast %add3A_391 : i32 to index
        %get3A_420 = arith.constant 16 : index
        %get3A_421 = tpu.vector_load %arg8[%get3A_419, %get3A_420] {strides = array<i32>} : memref<200x64xf32, #tpu.memory_space<vmem>>, vector<16xf32>,
        %add3A_422 = arith.constant 0 : i32
        %add3A_423 = arith.addi %add3A_391, %add3A_422 : i32
        %get3A_424 = arith.constant 2 : i32
        %get3A_425 = arith.index_cast %get3A_424 : i32 to index
        %get3A_426 = arith.index_cast %add3A_423 : i32 to index
        %get3A_427 = arith.constant 16 : index
        %get3A_428 = tpu.vector_load %arg7[%get3A_425, %get3A_426, %get3A_427] {strides = array<i32>} : memref<4x400x64xf32, #tpu.memory_space<vmem>>, vector<16xf32>,
        %add3A_429 = arith.addf %get3A_428, %get3A_421 : vector<16xf32>
        %swap3A_430 = arith.constant 2 : i32
        %swap3A_431 = arith.index_cast %swap3A_430 : i32 to index
        %swap3A_432 = arith.index_cast %add3A_423 : i32 to index
        %swap3A_433 = arith.constant 16 : index
        %swap3A_434 = tpu.vector_load %arg7[%swap3A_431, %swap3A_432, %swap3A_433] {strides = array<i32>} : memref<4x400x64xf32, #tpu.memory_space<vmem>>, vector<16xf32>,
        tpu.vector_store %arg7[%swap3A_431, %swap3A_432, %swap3A_433], %add3A_429 {strides = array<i32>} : memref<4x400x64xf32, #tpu.memory_space<vmem>>, vector<16xf32>,
        %add3A_435 = arith.constant 200 : i32
        %add3A_436 = arith.addi %add3A_391, %add3A_435 : i32
        %get3A_437 = arith.constant 2 : i32
        %get3A_438 = arith.index_cast %get3A_437 : i32 to index
        %get3A_439 = arith.index_cast %add3A_436 : i32 to index
        %get3A_440 = arith.constant 16 : index
        %get3A_441 = tpu.vector_load %arg7[%get3A_438, %get3A_439, %get3A_440] {strides = array<i32>} : memref<4x400x64xf32, #tpu.memory_space<vmem>>, vector<16xf32>,
        %add3A_442 = arith.addf %get3A_441, %get3A_421 : vector<16xf32>
        %swap3A_443 = arith.constant 2 : i32
        %swap3A_444 = arith.index_cast %swap3A_443 : i32 to index
        %swap3A_445 = arith.index_cast %add3A_436 : i32 to index
        %swap3A_446 = arith.constant 16 : index
        %swap3A_447 = tpu.vector_load %arg7[%swap3A_444, %swap3A_445, %swap3A_446] {strides = array<i32>} : memref<4x400x64xf32, #tpu.memory_space<vmem>>, vector<16xf32>,
        tpu.vector_store %arg7[%swap3A_444, %swap3A_445, %swap3A_446], %add3A_442 {strides = array<i32>} : memref<4x400x64xf32, #tpu.memory_space<vmem>>, vector<16xf32>,
        %get3A_448 = arith.index_cast %add3A_391 : i32 to index
        %get3A_449 = arith.constant 32 : index
        %get3A_450 = tpu.vector_load %arg8[%get3A_448, %get3A_449] {strides = array<i32>} : memref<200x64xf32, #tpu.memory_space<vmem>>, vector<16xf32>,
        %add3A_451 = arith.constant 0 : i32
        %add3A_452 = arith.addi %add3A_391, %add3A_451 : i32
        %get3A_453 = arith.constant 2 : i32
        %get3A_454 = arith.index_cast %get3A_453 : i32 to index
        %get3A_455 = arith.index_cast %add3A_452 : i32 to index
        %get3A_456 = arith.constant 32 : index
        %get3A_457 = tpu.vector_load %arg7[%get3A_454, %get3A_455, %get3A_456] {strides = array<i32>} : memref<4x400x64xf32, #tpu.memory_space<vmem>>, vector<16xf32>,
        %add3A_458 = arith.addf %get3A_457, %get3A_450 : vector<16xf32>
        %swap3A_459 = arith.constant 2 : i32
        %swap3A_460 = arith.index_cast %swap3A_459 : i32 to index
        %swap3A_461 = arith.index_cast %add3A_452 : i32 to index
        %swap3A_462 = arith.constant 32 : index
        %swap3A_463 = tpu.vector_load %arg7[%swap3A_460, %swap3A_461, %swap3A_462] {strides = array<i32>} : memref<4x400x64xf32, #tpu.memory_space<vmem>>, vector<16xf32>,
        tpu.vector_store %arg7[%swap3A_460, %swap3A_461, %swap3A_462], %add3A_458 {strides = array<i32>} : memref<4x400x64xf32, #tpu.memory_space<vmem>>, vector<16xf32>,
        %add3A_464 = arith.constant 200 : i32
        %add3A_465 = arith.addi %add3A_391, %add3A_464 : i32
        %get3A_466 = arith.constant 2 : i32
        %get3A_467 = arith.index_cast %get3A_466 : i32 to index
        %get3A_468 = arith.index_cast %add3A_465 : i32 to index
        %get3A_469 = arith.constant 32 : index
        %get3A_470 = tpu.vector_load %arg7[%get3A_467, %get3A_468, %get3A_469] {strides = array<i32>} : memref<4x400x64xf32, #tpu.memory_space<vmem>>, vector<16xf32>,
        %add3A_471 = arith.addf %get3A_470, %get3A_450 : vector<16xf32>
        %swap3A_472 = arith.constant 2 : i32
        %swap3A_473 = arith.index_cast %swap3A_472 : i32 to index
        %swap3A_474 = arith.index_cast %add3A_465 : i32 to index
        %swap3A_475 = arith.constant 32 : index
        %swap3A_476 = tpu.vector_load %arg7[%swap3A_473, %swap3A_474, %swap3A_475] {strides = array<i32>} : memref<4x400x64xf32, #tpu.memory_space<vmem>>, vector<16xf32>,
        tpu.vector_store %arg7[%swap3A_473, %swap3A_474, %swap3A_475], %add3A_471 {strides = array<i32>} : memref<4x400x64xf32, #tpu.memory_space<vmem>>, vector<16xf32>,
        %get3A_477 = arith.index_cast %add3A_391 : i32 to index
        %get3A_478 = arith.constant 48 : index
        %get3A_479 = tpu.vector_load %arg8[%get3A_477, %get3A_478] {strides = array<i32>} : memref<200x64xf32, #tpu.memory_space<vmem>>, vector<16xf32>,
        %add3A_480 = arith.constant 0 : i32
        %add3A_481 = arith.addi %add3A_391, %add3A_480 : i32
        %get3A_482 = arith.constant 2 : i32
        %get3A_483 = arith.index_cast %get3A_482 : i32 to index
        %get3A_484 = arith.index_cast %add3A_481 : i32 to index
        %get3A_485 = arith.constant 48 : index
        %get3A_486 = tpu.vector_load %arg7[%get3A_483, %get3A_484, %get3A_485] {strides = array<i32>} : memref<4x400x64xf32, #tpu.memory_space<vmem>>, vector<16xf32>,
        %add3A_487 = arith.addf %get3A_486, %get3A_479 : vector<16xf32>
        %swap3A_488 = arith.constant 2 : i32
        %swap3A_489 = arith.index_cast %swap3A_488 : i32 to index
        %swap3A_490 = arith.index_cast %add3A_481 : i32 to index
        %swap3A_491 = arith.constant 48 : index
        %swap3A_492 = tpu.vector_load %arg7[%swap3A_489, %swap3A_490, %swap3A_491] {strides = array<i32>} : memref<4x400x64xf32, #tpu.memory_space<vmem>>, vector<16xf32>,
        tpu.vector_store %arg7[%swap3A_489, %swap3A_490, %swap3A_491], %add3A_487 {strides = array<i32>} : memref<4x400x64xf32, #tpu.memory_space<vmem>>, vector<16xf32>,
        %add3A_493 = arith.constant 200 : i32
        %add3A_494 = arith.addi %add3A_391, %add3A_493 : i32
        %get3A_495 = arith.constant 2 : i32
        %get3A_496 = arith.index_cast %get3A_495 : i32 to index
        %get3A_497 = arith.index_cast %add3A_494 : i32 to index
        %get3A_498 = arith.constant 48 : index
        %get3A_499 = tpu.vector_load %arg7[%get3A_496, %get3A_497, %get3A_498] {strides = array<i32>} : memref<4x400x64xf32, #tpu.memory_space<vmem>>, vector<16xf32>,
        %add3A_500 = arith.addf %get3A_499, %get3A_479 : vector<16xf32>
        %swap3A_501 = arith.constant 2 : i32
        %swap3A_502 = arith.index_cast %swap3A_501 : i32 to index
        %swap3A_503 = arith.index_cast %add3A_494 : i32 to index
        %swap3A_504 = arith.constant 48 : index
        %swap3A_505 = tpu.vector_load %arg7[%swap3A_502, %swap3A_503, %swap3A_504] {strides = array<i32>} : memref<4x400x64xf32, #tpu.memory_space<vmem>>, vector<16xf32>,
        tpu.vector_store %arg7[%swap3A_502, %swap3A_503, %swap3A_504], %add3A_500 {strides = array<i32>} : memref<4x400x64xf32, #tpu.memory_space<vmem>>, vector<16xf32>,
      }
      %scan3A_295 = arith.constant 200 : i32
      %mul3A_296 = arith.constant 400 : i32
      %mul3A_297 = arith.muli %add3A_268, %mul3A_296 : i32
      %add3A_298 = arith.addi %mul3A_2, %mul3A_297 : i32
      %dma_start3A_299 = arith.constant 2 : i32
      %dma_start3A_300 = arith.constant 2 : i32
      %dma_start3A_301 = arith.constant 0 : i32
      %dma_start3A_302 = arith.constant 0 : i32
      %dma_start3A_303 = tpu.memref_slice %arg7[%dma_start3A_299, %dma_start3A_301, %dma_start3A_302] : memref<4x400x64xf32, #tpu.memory_space<vmem>> -> memref<1x400x64xf32, #tpu.memory_space<vmem>>
      %dma_start3A_304 = tpu.memref_squeeze %dma_start3A_303 : memref<1x400x64xf32, #tpu.memory_space<vmem>> -> memref<400x64xf32, #tpu.memory_space<vmem>>
      %dma_start3A_305 = arith.constant 0 : i32
      %dma_start3A_306 = tpu.memref_slice %arg5[%add3A_298, %dma_start3A_305] : memref<819200x64xf32, #tpu.memory_space<hbm>> -> memref<400x64xf32, #tpu.memory_space<hbm>>
      %dma_start3A_307 = tpu.memref_slice %arg10[%dma_start3A_300] : memref<4x!tpu.dma_semaphore, #tpu.memory_space<semaphore_mem>> -> memref<1x!tpu.dma_semaphore, #tpu.memory_space<semaphore_mem>>
      %dma_start3A_308 = tpu.memref_squeeze %dma_start3A_307 : memref<1x!tpu.dma_semaphore, #tpu.memory_space<semaphore_mem>> -> memref<!tpu.dma_semaphore, #tpu.memory_space<semaphore_mem>>
      %dma_start3A_309 = arith.constant 0 : i32
      %dma_start3A_310 = tpu.memref_slice %arg5[%add3A_298, %dma_start3A_309] : memref<819200x64xf32, #tpu.memory_space<hbm>> -> memref<400x64xf32, #tpu.memory_space<hbm>>
      %dma_start3A_311 = arith.constant 0 : i32
      %dma_start3A_312 = arith.constant 0 : i32
      %dma_start3A_313 = tpu.memref_slice %arg7[%dma_start3A_299, %dma_start3A_311, %dma_start3A_312] : memref<4x400x64xf32, #tpu.memory_space<vmem>> -> memref<1x400x64xf32, #tpu.memory_space<vmem>>
      %dma_start3A_314 = tpu.memref_squeeze %dma_start3A_313 : memref<1x400x64xf32, #tpu.memory_space<vmem>> -> memref<400x64xf32, #tpu.memory_space<vmem>>
      tpu.enqueue_dma source(%dma_start3A_314 : memref<400x64xf32, #tpu.memory_space<vmem>>) target(%dma_start3A_310 : memref<400x64xf32, #tpu.memory_space<hbm>>) target_semaphore(%dma_start3A_308 : memref<!tpu.dma_semaphore, #tpu.memory_space<semaphore_mem>>)
      %sub3A_315 = arith.constant 1 : i32
      %sub3A_316 = arith.subi %add3A_268, %sub3A_315 : i32
      %add3A_317 = arith.constant 4 : i32
      %add3A_318 = arith.addi %sub3A_316, %add3A_317 : i32
      %ge3A_319 = arith.constant 4 : i32
      %ge3A_320 = arith.cmpi sge, %add3A_318, %ge3A_319 : i32
      %lt3A_321 = arith.constant 64 : i32
      %lt3A_322 = arith.cmpi slt, %add3A_318, %lt3A_321 : i32
      %and3A_323 = arith.andi %ge3A_320, %lt3A_322 : i1
      %convert_element_type3A_324 = arith.extui %and3A_323 : i1 to i32
      %cond3A_325 = arith.constant 0 : i32
      %cond3A_326 = arith.cmpi ne, %convert_element_type3A_324, %cond3A_325 : i32
      scf.if %cond3A_326 {
        %sub3A_387 = arith.constant 4 : i32
        %sub3A_388 = arith.subi %add3A_318, %sub3A_387 : i32
        %mul3A_389 = arith.constant 400 : i32
        %mul3A_390 = arith.muli %sub3A_388, %mul3A_389 : i32
        %add3A_391 = arith.addi %mul3A_2, %mul3A_390 : i32
        %dma_wait3A_392 = arith.constant 1 : i32
        %dma_wait3A_393 = arith.constant 1 : i32
        %dma_wait3A_394 = arith.constant 0 : i32
        %dma_wait3A_395 = arith.constant 0 : i32
        %dma_wait3A_396 = tpu.memref_slice %arg7[%dma_wait3A_392, %dma_wait3A_394, %dma_wait3A_395] : memref<4x400x64xf32, #tpu.memory_space<vmem>> -> memref<1x400x64xf32, #tpu.memory_space<vmem>>
        %dma_wait3A_397 = tpu.memref_squeeze %dma_wait3A_396 : memref<1x400x64xf32, #tpu.memory_space<vmem>> -> memref<400x64xf32, #tpu.memory_space<vmem>>
        %dma_wait3A_398 = arith.constant 0 : i32
        %dma_wait3A_399 = tpu.memref_slice %arg5[%add3A_391, %dma_wait3A_398] : memref<819200x64xf32, #tpu.memory_space<hbm>> -> memref<400x64xf32, #tpu.memory_space<hbm>>
        %dma_wait3A_400 = tpu.memref_slice %arg10[%dma_wait3A_393] : memref<4x!tpu.dma_semaphore, #tpu.memory_space<semaphore_mem>> -> memref<1x!tpu.dma_semaphore, #tpu.memory_space<semaphore_mem>>
        %dma_wait3A_401 = tpu.memref_squeeze %dma_wait3A_400 : memref<1x!tpu.dma_semaphore, #tpu.memory_space<semaphore_mem>> -> memref<!tpu.dma_semaphore, #tpu.memory_space<semaphore_mem>>
        %dma_wait3A_402 = arith.constant 0 : i32
        %dma_wait3A_403 = tpu.memref_slice %arg5[%add3A_391, %dma_wait3A_402] : memref<819200x64xf32, #tpu.memory_space<hbm>> -> memref<400x64xf32, #tpu.memory_space<hbm>>
        %dma_wait3A_404 = arith.constant 0 : i32
        %dma_wait3A_405 = arith.constant 0 : i32
        %dma_wait3A_406 = tpu.memref_slice %arg7[%dma_wait3A_392, %dma_wait3A_404, %dma_wait3A_405] : memref<4x400x64xf32, #tpu.memory_space<vmem>> -> memref<1x400x64xf32, #tpu.memory_space<vmem>>
        %dma_wait3A_407 = tpu.memref_squeeze %dma_wait3A_406 : memref<1x400x64xf32, #tpu.memory_space<vmem>> -> memref<400x64xf32, #tpu.memory_space<vmem>>
        tpu.wait_dma2 semaphore(%dma_wait3A_401 : memref<!tpu.dma_semaphore, #tpu.memory_space<semaphore_mem>>) src(%dma_wait3A_407 : memref<400x64xf32, #tpu.memory_space<vmem>>) dst(%dma_wait3A_403 : memref<400x64xf32, #tpu.memory_space<hbm>>)
        %dma_wait3A_408 = arith.constant 1 : i32
        %dma_wait3A_409 = arith.constant 1 : i32
        %dma_wait3A_410 = arith.constant 0 : i32
        %dma_wait3A_411 = tpu.memref_slice %arg6[%dma_wait3A_408, %dma_wait3A_410] : memref<4x400xi32, #tpu.memory_space<vmem>> -> memref<1x400xi32, #tpu.memory_space<vmem>>
        %dma_wait3A_412 = tpu.memref_squeeze %dma_wait3A_411 : memref<1x400xi32, #tpu.memory_space<vmem>> -> memref<400xi32, #tpu.memory_space<vmem>>
        %dma_wait3A_413 = arith.constant 0 : i32
        %dma_wait3A_414 = tpu.memref_slice %arg2[%dma_wait3A_413] : memref<819200xi32, #tpu.memory_space<hbm>> -> memref<400xi32, #tpu.memory_space<hbm>>
        %dma_wait3A_415 = tpu.memref_slice %arg11[%dma_wait3A_409] : memref<4x!tpu.dma_semaphore, #tpu.memory_space<semaphore_mem>> -> memref<1x!tpu.dma_semaphore, #tpu.memory_space<semaphore_mem>>
        %dma_wait3A_416 = tpu.memref_squeeze %dma_wait3A_415 : memref<1x!tpu.dma_semaphore, #tpu.memory_space<semaphore_mem>> -> memref<!tpu.dma_semaphore, #tpu.memory_space<semaphore_mem>>
        %dma_wait3A_417 = arith.constant 0 : i32
        %dma_wait3A_418 = tpu.memref_slice %arg6[%dma_wait3A_408, %dma_wait3A_417] : memref<4x400xi32, #tpu.memory_space<vmem>> -> memref<1x400xi32, #tpu.memory_space<vmem>>
        %dma_wait3A_419 = tpu.memref_squeeze %dma_wait3A_418 : memref<1x400xi32, #tpu.memory_space<vmem>> -> memref<400xi32, #tpu.memory_space<vmem>>
        %dma_wait3A_420 = arith.constant 0 : i32
        %dma_wait3A_421 = tpu.memref_slice %arg2[%dma_wait3A_420] : memref<819200xi32, #tpu.memory_space<hbm>> -> memref<400xi32, #tpu.memory_space<hbm>>
        tpu.wait_dma2 semaphore(%dma_wait3A_416 : memref<!tpu.dma_semaphore, #tpu.memory_space<semaphore_mem>>) src(%dma_wait3A_421 : memref<400xi32, #tpu.memory_space<hbm>>) dst(%dma_wait3A_419 : memref<400xi32, #tpu.memory_space<vmem>>)
        %dma_start3A_422 = arith.constant 1 : i32
        %dma_start3A_423 = arith.constant 1 : i32
        %dma_start3A_424 = arith.constant 1 : i32
        %dma_start3A_425 = arith.constant 0 : i32
        %dma_start3A_426 = arith.constant 0 : i32
        %dma_start3A_427 = tpu.memref_slice %arg7[%dma_start3A_423, %dma_start3A_425, %dma_start3A_426] : memref<4x400x64xf32, #tpu.memory_space<vmem>> -> memref<1x400x64xf32, #tpu.memory_space<vmem>>
        %dma_start3A_428 = tpu.memref_squeeze %dma_start3A_427 : memref<1x400x64xf32, #tpu.memory_space<vmem>> -> memref<400x64xf32, #tpu.memory_space<vmem>>
        %dma_start3A_429 = arith.constant 0 : i32
        %dma_start3A_430 = tpu.memref_slice %arg6[%dma_start3A_422, %dma_start3A_429] : memref<4x400xi32, #tpu.memory_space<vmem>> -> memref<1x400xi32, #tpu.memory_space<vmem>>
        %dma_start3A_431 = tpu.memref_squeeze %dma_start3A_430 : memref<1x400xi32, #tpu.memory_space<vmem>> -> memref<400xi32, #tpu.memory_space<vmem>>
        %dma_start3A_432 = arith.constant 0 : i32
        %dma_start3A_433 = arith.constant 0 : i32
        %dma_start3A_434 = tpu.memref_slice %arg4[%dma_start3A_432, %dma_start3A_433] : memref<1000000x64xf32, #tpu.memory_space<hbm>> -> memref<1000000x64xf32, #tpu.memory_space<hbm>>
        %dma_start3A_435 = tpu.memref_slice %arg9[%dma_start3A_424] : memref<4x!tpu.dma_semaphore, #tpu.memory_space<semaphore_mem>> -> memref<1x!tpu.dma_semaphore, #tpu.memory_space<semaphore_mem>>
        %dma_start3A_436 = tpu.memref_squeeze %dma_start3A_435 : memref<1x!tpu.dma_semaphore, #tpu.memory_space<semaphore_mem>> -> memref<!tpu.dma_semaphore, #tpu.memory_space<semaphore_mem>>
        tpu.enqueue_indirect_dma source(%dma_start3A_434 : memref<1000000x64xf32, #tpu.memory_space<hbm>>) target(%dma_start3A_428 : memref<400x64xf32, #tpu.memory_space<vmem>>) offsets(%dma_start3A_431 : memref<400xi32, #tpu.memory_space<vmem>>) semaphore(%dma_start3A_436 : memref<!tpu.dma_semaphore, #tpu.memory_space<semaphore_mem>>)
      } else {
      }
      %add3A_327 = arith.constant 3 : i32
      %add3A_328 = arith.addi %add3A_152, %add3A_327 : i32
      %dma_wait3A_329 = arith.constant 3 : i32
      %dma_wait3A_330 = arith.constant 3 : i32
      %dma_wait3A_331 = arith.constant 3 : i32
      %dma_wait3A_332 = arith.constant 0 : i32
      %dma_wait3A_333 = arith.constant 0 : i32
      %dma_wait3A_334 = tpu.memref_slice %arg7[%dma_wait3A_330, %dma_wait3A_332, %dma_wait3A_333] : memref<4x400x64xf32, #tpu.memory_space<vmem>> -> memref<1x400x64xf32, #tpu.memory_space<vmem>>
      %dma_wait3A_335 = tpu.memref_squeeze %dma_wait3A_334 : memref<1x400x64xf32, #tpu.memory_space<vmem>> -> memref<400x64xf32, #tpu.memory_space<vmem>>
      %dma_wait3A_336 = arith.constant 0 : i32
      %dma_wait3A_337 = tpu.memref_slice %arg6[%dma_wait3A_329, %dma_wait3A_336] : memref<4x400xi32, #tpu.memory_space<vmem>> -> memref<1x400xi32, #tpu.memory_space<vmem>>
      %dma_wait3A_338 = tpu.memref_squeeze %dma_wait3A_337 : memref<1x400xi32, #tpu.memory_space<vmem>> -> memref<400xi32, #tpu.memory_space<vmem>>
      %dma_wait3A_339 = arith.constant 0 : i32
      %dma_wait3A_340 = arith.constant 0 : i32
      %dma_wait3A_341 = tpu.memref_slice %arg4[%dma_wait3A_339, %dma_wait3A_340] : memref<1000000x64xf32, #tpu.memory_space<hbm>> -> memref<1000000x64xf32, #tpu.memory_space<hbm>>
      %dma_wait3A_342 = tpu.memref_slice %arg9[%dma_wait3A_331] : memref<4x!tpu.dma_semaphore, #tpu.memory_space<semaphore_mem>> -> memref<1x!tpu.dma_semaphore, #tpu.memory_space<semaphore_mem>>
      %dma_wait3A_343 = tpu.memref_squeeze %dma_wait3A_342 : memref<1x!tpu.dma_semaphore, #tpu.memory_space<semaphore_mem>> -> memref<!tpu.dma_semaphore, #tpu.memory_space<semaphore_mem>>
      tpu.wait_indirect_dma semaphore(%dma_wait3A_343 : memref<!tpu.dma_semaphore, #tpu.memory_space<semaphore_mem>>) src(%dma_wait3A_341 : memref<1000000x64xf32, #tpu.memory_space<hbm>>) dst(%dma_wait3A_335 : memref<400x64xf32, #tpu.memory_space<vmem>>)
      %add3A_344 = arith.constant 4 : i32
      %add3A_345 = arith.addi %add3A_328, %add3A_344 : i32
      %lt3A_346 = arith.constant 64 : i32
      %lt3A_347 = arith.cmpi slt, %add3A_345, %lt3A_346 : i32
      %convert_element_type3A_348 = arith.extui %lt3A_347 : i1 to i32
      %cond3A_349 = arith.constant 0 : i32
      %cond3A_350 = arith.cmpi ne, %convert_element_type3A_348, %cond3A_349 : i32
      scf.if %cond3A_350 {
        %add3A_387 = arith.constant 4 : i32
        %add3A_388 = arith.addi %add3A_328, %add3A_387 : i32
        %mul3A_389 = arith.constant 400 : i32
        %mul3A_390 = arith.muli %add3A_388, %mul3A_389 : i32
        %add3A_391 = arith.addi %mul3A_2, %mul3A_390 : i32
        %dma_start3A_392 = arith.constant 3 : i32
        %dma_start3A_393 = arith.constant 3 : i32
        %dma_start3A_394 = arith.constant 0 : i32
        %dma_start3A_395 = tpu.memref_slice %arg6[%dma_start3A_392, %dma_start3A_394] : memref<4x400xi32, #tpu.memory_space<vmem>> -> memref<1x400xi32, #tpu.memory_space<vmem>>
        %dma_start3A_396 = tpu.memref_squeeze %dma_start3A_395 : memref<1x400xi32, #tpu.memory_space<vmem>> -> memref<400xi32, #tpu.memory_space<vmem>>
        %dma_start3A_397 = tpu.memref_slice %arg2[%add3A_391] : memref<819200xi32, #tpu.memory_space<hbm>> -> memref<400xi32, #tpu.memory_space<hbm>>
        %dma_start3A_398 = tpu.memref_slice %arg11[%dma_start3A_393] : memref<4x!tpu.dma_semaphore, #tpu.memory_space<semaphore_mem>> -> memref<1x!tpu.dma_semaphore, #tpu.memory_space<semaphore_mem>>
        %dma_start3A_399 = tpu.memref_squeeze %dma_start3A_398 : memref<1x!tpu.dma_semaphore, #tpu.memory_space<semaphore_mem>> -> memref<!tpu.dma_semaphore, #tpu.memory_space<semaphore_mem>>
        %dma_start3A_400 = arith.constant 0 : i32
        %dma_start3A_401 = tpu.memref_slice %arg6[%dma_start3A_392, %dma_start3A_400] : memref<4x400xi32, #tpu.memory_space<vmem>> -> memref<1x400xi32, #tpu.memory_space<vmem>>
        %dma_start3A_402 = tpu.memref_squeeze %dma_start3A_401 : memref<1x400xi32, #tpu.memory_space<vmem>> -> memref<400xi32, #tpu.memory_space<vmem>>
        %dma_start3A_403 = tpu.memref_slice %arg2[%add3A_391] : memref<819200xi32, #tpu.memory_space<hbm>> -> memref<400xi32, #tpu.memory_space<hbm>>
        tpu.enqueue_dma source(%dma_start3A_403 : memref<400xi32, #tpu.memory_space<hbm>>) target(%dma_start3A_402 : memref<400xi32, #tpu.memory_space<vmem>>) target_semaphore(%dma_start3A_399 : memref<!tpu.dma_semaphore, #tpu.memory_space<semaphore_mem>>)
      } else {
      }
      %scan3A_351 = arith.constant 0 : i32
      %scan3A_352 = arith.constant 200 : i32
      %scan3A_353 = arith.addi %scan3A_351, %scan3A_352 : i32
      %scan3A_354 = arith.constant 1 : i32
      scf.for %scan3A_387 = %scan3A_351 to %scan3A_353 step %scan3A_354  : i32 {
        %mul3A_388 = arith.constant 1 : i32
        %mul3A_389 = arith.muli %scan3A_387, %mul3A_388 : i32
        %add3A_390 = arith.constant 0 : i32
        %add3A_391 = arith.addi %add3A_390, %mul3A_389 : i32
        %get3A = arith.index_cast %add3A_391 : i32 to index
        %get3A_392 = arith.constant 0 : index
        %get3A_393 = tpu.vector_load %arg8[%get3A, %get3A_392] {strides = array<i32>} : memref<200x64xf32, #tpu.memory_space<vmem>>, vector<16xf32>,
        %add3A_394 = arith.constant 0 : i32
        %add3A_395 = arith.addi %add3A_391, %add3A_394 : i32
        %get3A_396 = arith.constant 3 : i32
        %get3A_397 = arith.index_cast %get3A_396 : i32 to index
        %get3A_398 = arith.index_cast %add3A_395 : i32 to index
        %get3A_399 = arith.constant 0 : index
        %get3A_400 = tpu.vector_load %arg7[%get3A_397, %get3A_398, %get3A_399] {strides = array<i32>} : memref<4x400x64xf32, #tpu.memory_space<vmem>>, vector<16xf32>,
        %add3A_401 = arith.addf %get3A_400, %get3A_393 : vector<16xf32>
        %swap3A = arith.constant 3 : i32
        %swap3A_402 = arith.index_cast %swap3A : i32 to index
        %swap3A_403 = arith.index_cast %add3A_395 : i32 to index
        %swap3A_404 = arith.constant 0 : index
        %swap3A_405 = tpu.vector_load %arg7[%swap3A_402, %swap3A_403, %swap3A_404] {strides = array<i32>} : memref<4x400x64xf32, #tpu.memory_space<vmem>>, vector<16xf32>,
        tpu.vector_store %arg7[%swap3A_402, %swap3A_403, %swap3A_404], %add3A_401 {strides = array<i32>} : memref<4x400x64xf32, #tpu.memory_space<vmem>>, vector<16xf32>,
        %add3A_406 = arith.constant 200 : i32
        %add3A_407 = arith.addi %add3A_391, %add3A_406 : i32
        %get3A_408 = arith.constant 3 : i32
        %get3A_409 = arith.index_cast %get3A_408 : i32 to index
        %get3A_410 = arith.index_cast %add3A_407 : i32 to index
        %get3A_411 = arith.constant 0 : index
        %get3A_412 = tpu.vector_load %arg7[%get3A_409, %get3A_410, %get3A_411] {strides = array<i32>} : memref<4x400x64xf32, #tpu.memory_space<vmem>>, vector<16xf32>,
        %add3A_413 = arith.addf %get3A_412, %get3A_393 : vector<16xf32>
        %swap3A_414 = arith.constant 3 : i32
        %swap3A_415 = arith.index_cast %swap3A_414 : i32 to index
        %swap3A_416 = arith.index_cast %add3A_407 : i32 to index
        %swap3A_417 = arith.constant 0 : index
        %swap3A_418 = tpu.vector_load %arg7[%swap3A_415, %swap3A_416, %swap3A_417] {strides = array<i32>} : memref<4x400x64xf32, #tpu.memory_space<vmem>>, vector<16xf32>,
        tpu.vector_store %arg7[%swap3A_415, %swap3A_416, %swap3A_417], %add3A_413 {strides = array<i32>} : memref<4x400x64xf32, #tpu.memory_space<vmem>>, vector<16xf32>,
        %get3A_419 = arith.index_cast %add3A_391 : i32 to index
        %get3A_420 = arith.constant 16 : index
        %get3A_421 = tpu.vector_load %arg8[%get3A_419, %get3A_420] {strides = array<i32>} : memref<200x64xf32, #tpu.memory_space<vmem>>, vector<16xf32>,
        %add3A_422 = arith.constant 0 : i32
        %add3A_423 = arith.addi %add3A_391, %add3A_422 : i32
        %get3A_424 = arith.constant 3 : i32
        %get3A_425 = arith.index_cast %get3A_424 : i32 to index
        %get3A_426 = arith.index_cast %add3A_423 : i32 to index
        %get3A_427 = arith.constant 16 : index
        %get3A_428 = tpu.vector_load %arg7[%get3A_425, %get3A_426, %get3A_427] {strides = array<i32>} : memref<4x400x64xf32, #tpu.memory_space<vmem>>, vector<16xf32>,
        %add3A_429 = arith.addf %get3A_428, %get3A_421 : vector<16xf32>
        %swap3A_430 = arith.constant 3 : i32
        %swap3A_431 = arith.index_cast %swap3A_430 : i32 to index
        %swap3A_432 = arith.index_cast %add3A_423 : i32 to index
        %swap3A_433 = arith.constant 16 : index
        %swap3A_434 = tpu.vector_load %arg7[%swap3A_431, %swap3A_432, %swap3A_433] {strides = array<i32>} : memref<4x400x64xf32, #tpu.memory_space<vmem>>, vector<16xf32>,
        tpu.vector_store %arg7[%swap3A_431, %swap3A_432, %swap3A_433], %add3A_429 {strides = array<i32>} : memref<4x400x64xf32, #tpu.memory_space<vmem>>, vector<16xf32>,
        %add3A_435 = arith.constant 200 : i32
        %add3A_436 = arith.addi %add3A_391, %add3A_435 : i32
        %get3A_437 = arith.constant 3 : i32
        %get3A_438 = arith.index_cast %get3A_437 : i32 to index
        %get3A_439 = arith.index_cast %add3A_436 : i32 to index
        %get3A_440 = arith.constant 16 : index
        %get3A_441 = tpu.vector_load %arg7[%get3A_438, %get3A_439, %get3A_440] {strides = array<i32>} : memref<4x400x64xf32, #tpu.memory_space<vmem>>, vector<16xf32>,
        %add3A_442 = arith.addf %get3A_441, %get3A_421 : vector<16xf32>
        %swap3A_443 = arith.constant 3 : i32
        %swap3A_444 = arith.index_cast %swap3A_443 : i32 to index
        %swap3A_445 = arith.index_cast %add3A_436 : i32 to index
        %swap3A_446 = arith.constant 16 : index
        %swap3A_447 = tpu.vector_load %arg7[%swap3A_444, %swap3A_445, %swap3A_446] {strides = array<i32>} : memref<4x400x64xf32, #tpu.memory_space<vmem>>, vector<16xf32>,
        tpu.vector_store %arg7[%swap3A_444, %swap3A_445, %swap3A_446], %add3A_442 {strides = array<i32>} : memref<4x400x64xf32, #tpu.memory_space<vmem>>, vector<16xf32>,
        %get3A_448 = arith.index_cast %add3A_391 : i32 to index
        %get3A_449 = arith.constant 32 : index
        %get3A_450 = tpu.vector_load %arg8[%get3A_448, %get3A_449] {strides = array<i32>} : memref<200x64xf32, #tpu.memory_space<vmem>>, vector<16xf32>,
        %add3A_451 = arith.constant 0 : i32
        %add3A_452 = arith.addi %add3A_391, %add3A_451 : i32
        %get3A_453 = arith.constant 3 : i32
        %get3A_454 = arith.index_cast %get3A_453 : i32 to index
        %get3A_455 = arith.index_cast %add3A_452 : i32 to index
        %get3A_456 = arith.constant 32 : index
        %get3A_457 = tpu.vector_load %arg7[%get3A_454, %get3A_455, %get3A_456] {strides = array<i32>} : memref<4x400x64xf32, #tpu.memory_space<vmem>>, vector<16xf32>,
        %add3A_458 = arith.addf %get3A_457, %get3A_450 : vector<16xf32>
        %swap3A_459 = arith.constant 3 : i32
        %swap3A_460 = arith.index_cast %swap3A_459 : i32 to index
        %swap3A_461 = arith.index_cast %add3A_452 : i32 to index
        %swap3A_462 = arith.constant 32 : index
        %swap3A_463 = tpu.vector_load %arg7[%swap3A_460, %swap3A_461, %swap3A_462] {strides = array<i32>} : memref<4x400x64xf32, #tpu.memory_space<vmem>>, vector<16xf32>,
        tpu.vector_store %arg7[%swap3A_460, %swap3A_461, %swap3A_462], %add3A_458 {strides = array<i32>} : memref<4x400x64xf32, #tpu.memory_space<vmem>>, vector<16xf32>,
        %add3A_464 = arith.constant 200 : i32
        %add3A_465 = arith.addi %add3A_391, %add3A_464 : i32
        %get3A_466 = arith.constant 3 : i32
        %get3A_467 = arith.index_cast %get3A_466 : i32 to index
        %get3A_468 = arith.index_cast %add3A_465 : i32 to index
        %get3A_469 = arith.constant 32 : index
        %get3A_470 = tpu.vector_load %arg7[%get3A_467, %get3A_468, %get3A_469] {strides = array<i32>} : memref<4x400x64xf32, #tpu.memory_space<vmem>>, vector<16xf32>,
        %add3A_471 = arith.addf %get3A_470, %get3A_450 : vector<16xf32>
        %swap3A_472 = arith.constant 3 : i32
        %swap3A_473 = arith.index_cast %swap3A_472 : i32 to index
        %swap3A_474 = arith.index_cast %add3A_465 : i32 to index
        %swap3A_475 = arith.constant 32 : index
        %swap3A_476 = tpu.vector_load %arg7[%swap3A_473, %swap3A_474, %swap3A_475] {strides = array<i32>} : memref<4x400x64xf32, #tpu.memory_space<vmem>>, vector<16xf32>,
        tpu.vector_store %arg7[%swap3A_473, %swap3A_474, %swap3A_475], %add3A_471 {strides = array<i32>} : memref<4x400x64xf32, #tpu.memory_space<vmem>>, vector<16xf32>,
        %get3A_477 = arith.index_cast %add3A_391 : i32 to index
        %get3A_478 = arith.constant 48 : index
        %get3A_479 = tpu.vector_load %arg8[%get3A_477, %get3A_478] {strides = array<i32>} : memref<200x64xf32, #tpu.memory_space<vmem>>, vector<16xf32>,
        %add3A_480 = arith.constant 0 : i32
        %add3A_481 = arith.addi %add3A_391, %add3A_480 : i32
        %get3A_482 = arith.constant 3 : i32
        %get3A_483 = arith.index_cast %get3A_482 : i32 to index
        %get3A_484 = arith.index_cast %add3A_481 : i32 to index
        %get3A_485 = arith.constant 48 : index
        %get3A_486 = tpu.vector_load %arg7[%get3A_483, %get3A_484, %get3A_485] {strides = array<i32>} : memref<4x400x64xf32, #tpu.memory_space<vmem>>, vector<16xf32>,
        %add3A_487 = arith.addf %get3A_486, %get3A_479 : vector<16xf32>
        %swap3A_488 = arith.constant 3 : i32
        %swap3A_489 = arith.index_cast %swap3A_488 : i32 to index
        %swap3A_490 = arith.index_cast %add3A_481 : i32 to index
        %swap3A_491 = arith.constant 48 : index
        %swap3A_492 = tpu.vector_load %arg7[%swap3A_489, %swap3A_490, %swap3A_491] {strides = array<i32>} : memref<4x400x64xf32, #tpu.memory_space<vmem>>, vector<16xf32>,
        tpu.vector_store %arg7[%swap3A_489, %swap3A_490, %swap3A_491], %add3A_487 {strides = array<i32>} : memref<4x400x64xf32, #tpu.memory_space<vmem>>, vector<16xf32>,
        %add3A_493 = arith.constant 200 : i32
        %add3A_494 = arith.addi %add3A_391, %add3A_493 : i32
        %get3A_495 = arith.constant 3 : i32
        %get3A_496 = arith.index_cast %get3A_495 : i32 to index
        %get3A_497 = arith.index_cast %add3A_494 : i32 to index
        %get3A_498 = arith.constant 48 : index
        %get3A_499 = tpu.vector_load %arg7[%get3A_496, %get3A_497, %get3A_498] {strides = array<i32>} : memref<4x400x64xf32, #tpu.memory_space<vmem>>, vector<16xf32>,
        %add3A_500 = arith.addf %get3A_499, %get3A_479 : vector<16xf32>
        %swap3A_501 = arith.constant 3 : i32
        %swap3A_502 = arith.index_cast %swap3A_501 : i32 to index
        %swap3A_503 = arith.index_cast %add3A_494 : i32 to index
        %swap3A_504 = arith.constant 48 : index
        %swap3A_505 = tpu.vector_load %arg7[%swap3A_502, %swap3A_503, %swap3A_504] {strides = array<i32>} : memref<4x400x64xf32, #tpu.memory_space<vmem>>, vector<16xf32>,
        tpu.vector_store %arg7[%swap3A_502, %swap3A_503, %swap3A_504], %add3A_500 {strides = array<i32>} : memref<4x400x64xf32, #tpu.memory_space<vmem>>, vector<16xf32>,
      }
      %scan3A_355 = arith.constant 200 : i32
      %mul3A_356 = arith.constant 400 : i32
      %mul3A_357 = arith.muli %add3A_328, %mul3A_356 : i32
      %add3A_358 = arith.addi %mul3A_2, %mul3A_357 : i32
      %dma_start3A_359 = arith.constant 3 : i32
      %dma_start3A_360 = arith.constant 3 : i32
      %dma_start3A_361 = arith.constant 0 : i32
      %dma_start3A_362 = arith.constant 0 : i32
      %dma_start3A_363 = tpu.memref_slice %arg7[%dma_start3A_359, %dma_start3A_361, %dma_start3A_362] : memref<4x400x64xf32, #tpu.memory_space<vmem>> -> memref<1x400x64xf32, #tpu.memory_space<vmem>>
      %dma_start3A_364 = tpu.memref_squeeze %dma_start3A_363 : memref<1x400x64xf32, #tpu.memory_space<vmem>> -> memref<400x64xf32, #tpu.memory_space<vmem>>
      %dma_start3A_365 = arith.constant 0 : i32
      %dma_start3A_366 = tpu.memref_slice %arg5[%add3A_358, %dma_start3A_365] : memref<819200x64xf32, #tpu.memory_space<hbm>> -> memref<400x64xf32, #tpu.memory_space<hbm>>
      %dma_start3A_367 = tpu.memref_slice %arg10[%dma_start3A_360] : memref<4x!tpu.dma_semaphore, #tpu.memory_space<semaphore_mem>> -> memref<1x!tpu.dma_semaphore, #tpu.memory_space<semaphore_mem>>
      %dma_start3A_368 = tpu.memref_squeeze %dma_start3A_367 : memref<1x!tpu.dma_semaphore, #tpu.memory_space<semaphore_mem>> -> memref<!tpu.dma_semaphore, #tpu.memory_space<semaphore_mem>>
      %dma_start3A_369 = arith.constant 0 : i32
      %dma_start3A_370 = tpu.memref_slice %arg5[%add3A_358, %dma_start3A_369] : memref<819200x64xf32, #tpu.memory_space<hbm>> -> memref<400x64xf32, #tpu.memory_space<hbm>>
      %dma_start3A_371 = arith.constant 0 : i32
      %dma_start3A_372 = arith.constant 0 : i32
      %dma_start3A_373 = tpu.memref_slice %arg7[%dma_start3A_359, %dma_start3A_371, %dma_start3A_372] : memref<4x400x64xf32, #tpu.memory_space<vmem>> -> memref<1x400x64xf32, #tpu.memory_space<vmem>>
      %dma_start3A_374 = tpu.memref_squeeze %dma_start3A_373 : memref<1x400x64xf32, #tpu.memory_space<vmem>> -> memref<400x64xf32, #tpu.memory_space<vmem>>
      tpu.enqueue_dma source(%dma_start3A_374 : memref<400x64xf32, #tpu.memory_space<vmem>>) target(%dma_start3A_370 : memref<400x64xf32, #tpu.memory_space<hbm>>) target_semaphore(%dma_start3A_368 : memref<!tpu.dma_semaphore, #tpu.memory_space<semaphore_mem>>)
      %sub3A_375 = arith.constant 1 : i32
      %sub3A_376 = arith.subi %add3A_328, %sub3A_375 : i32
      %add3A_377 = arith.constant 4 : i32
      %add3A_378 = arith.addi %sub3A_376, %add3A_377 : i32
      %ge3A_379 = arith.constant 4 : i32
      %ge3A_380 = arith.cmpi sge, %add3A_378, %ge3A_379 : i32
      %lt3A_381 = arith.constant 64 : i32
      %lt3A_382 = arith.cmpi slt, %add3A_378, %lt3A_381 : i32
      %and3A_383 = arith.andi %ge3A_380, %lt3A_382 : i1
      %convert_element_type3A_384 = arith.extui %and3A_383 : i1 to i32
      %cond3A_385 = arith.constant 0 : i32
      %cond3A_386 = arith.cmpi ne, %convert_element_type3A_384, %cond3A_385 : i32
      scf.if %cond3A_386 {
        %sub3A_387 = arith.constant 4 : i32
        %sub3A_388 = arith.subi %add3A_378, %sub3A_387 : i32
        %mul3A_389 = arith.constant 400 : i32
        %mul3A_390 = arith.muli %sub3A_388, %mul3A_389 : i32
        %add3A_391 = arith.addi %mul3A_2, %mul3A_390 : i32
        %dma_wait3A_392 = arith.constant 2 : i32
        %dma_wait3A_393 = arith.constant 2 : i32
        %dma_wait3A_394 = arith.constant 0 : i32
        %dma_wait3A_395 = arith.constant 0 : i32
        %dma_wait3A_396 = tpu.memref_slice %arg7[%dma_wait3A_392, %dma_wait3A_394, %dma_wait3A_395] : memref<4x400x64xf32, #tpu.memory_space<vmem>> -> memref<1x400x64xf32, #tpu.memory_space<vmem>>
        %dma_wait3A_397 = tpu.memref_squeeze %dma_wait3A_396 : memref<1x400x64xf32, #tpu.memory_space<vmem>> -> memref<400x64xf32, #tpu.memory_space<vmem>>
        %dma_wait3A_398 = arith.constant 0 : i32
        %dma_wait3A_399 = tpu.memref_slice %arg5[%add3A_391, %dma_wait3A_398] : memref<819200x64xf32, #tpu.memory_space<hbm>> -> memref<400x64xf32, #tpu.memory_space<hbm>>
        %dma_wait3A_400 = tpu.memref_slice %arg10[%dma_wait3A_393] : memref<4x!tpu.dma_semaphore, #tpu.memory_space<semaphore_mem>> -> memref<1x!tpu.dma_semaphore, #tpu.memory_space<semaphore_mem>>
        %dma_wait3A_401 = tpu.memref_squeeze %dma_wait3A_400 : memref<1x!tpu.dma_semaphore, #tpu.memory_space<semaphore_mem>> -> memref<!tpu.dma_semaphore, #tpu.memory_space<semaphore_mem>>
        %dma_wait3A_402 = arith.constant 0 : i32
        %dma_wait3A_403 = tpu.memref_slice %arg5[%add3A_391, %dma_wait3A_402] : memref<819200x64xf32, #tpu.memory_space<hbm>> -> memref<400x64xf32, #tpu.memory_space<hbm>>
        %dma_wait3A_404 = arith.constant 0 : i32
        %dma_wait3A_405 = arith.constant 0 : i32
        %dma_wait3A_406 = tpu.memref_slice %arg7[%dma_wait3A_392, %dma_wait3A_404, %dma_wait3A_405] : memref<4x400x64xf32, #tpu.memory_space<vmem>> -> memref<1x400x64xf32, #tpu.memory_space<vmem>>
        %dma_wait3A_407 = tpu.memref_squeeze %dma_wait3A_406 : memref<1x400x64xf32, #tpu.memory_space<vmem>> -> memref<400x64xf32, #tpu.memory_space<vmem>>
        tpu.wait_dma2 semaphore(%dma_wait3A_401 : memref<!tpu.dma_semaphore, #tpu.memory_space<semaphore_mem>>) src(%dma_wait3A_407 : memref<400x64xf32, #tpu.memory_space<vmem>>) dst(%dma_wait3A_403 : memref<400x64xf32, #tpu.memory_space<hbm>>)
        %dma_wait3A_408 = arith.constant 2 : i32
        %dma_wait3A_409 = arith.constant 2 : i32
        %dma_wait3A_410 = arith.constant 0 : i32
        %dma_wait3A_411 = tpu.memref_slice %arg6[%dma_wait3A_408, %dma_wait3A_410] : memref<4x400xi32, #tpu.memory_space<vmem>> -> memref<1x400xi32, #tpu.memory_space<vmem>>
        %dma_wait3A_412 = tpu.memref_squeeze %dma_wait3A_411 : memref<1x400xi32, #tpu.memory_space<vmem>> -> memref<400xi32, #tpu.memory_space<vmem>>
        %dma_wait3A_413 = arith.constant 0 : i32
        %dma_wait3A_414 = tpu.memref_slice %arg2[%dma_wait3A_413] : memref<819200xi32, #tpu.memory_space<hbm>> -> memref<400xi32, #tpu.memory_space<hbm>>
        %dma_wait3A_415 = tpu.memref_slice %arg11[%dma_wait3A_409] : memref<4x!tpu.dma_semaphore, #tpu.memory_space<semaphore_mem>> -> memref<1x!tpu.dma_semaphore, #tpu.memory_space<semaphore_mem>>
        %dma_wait3A_416 = tpu.memref_squeeze %dma_wait3A_415 : memref<1x!tpu.dma_semaphore, #tpu.memory_space<semaphore_mem>> -> memref<!tpu.dma_semaphore, #tpu.memory_space<semaphore_mem>>
        %dma_wait3A_417 = arith.constant 0 : i32
        %dma_wait3A_418 = tpu.memref_slice %arg6[%dma_wait3A_408, %dma_wait3A_417] : memref<4x400xi32, #tpu.memory_space<vmem>> -> memref<1x400xi32, #tpu.memory_space<vmem>>
        %dma_wait3A_419 = tpu.memref_squeeze %dma_wait3A_418 : memref<1x400xi32, #tpu.memory_space<vmem>> -> memref<400xi32, #tpu.memory_space<vmem>>
        %dma_wait3A_420 = arith.constant 0 : i32
        %dma_wait3A_421 = tpu.memref_slice %arg2[%dma_wait3A_420] : memref<819200xi32, #tpu.memory_space<hbm>> -> memref<400xi32, #tpu.memory_space<hbm>>
        tpu.wait_dma2 semaphore(%dma_wait3A_416 : memref<!tpu.dma_semaphore, #tpu.memory_space<semaphore_mem>>) src(%dma_wait3A_421 : memref<400xi32, #tpu.memory_space<hbm>>) dst(%dma_wait3A_419 : memref<400xi32, #tpu.memory_space<vmem>>)
        %dma_start3A_422 = arith.constant 2 : i32
        %dma_start3A_423 = arith.constant 2 : i32
        %dma_start3A_424 = arith.constant 2 : i32
        %dma_start3A_425 = arith.constant 0 : i32
        %dma_start3A_426 = arith.constant 0 : i32
        %dma_start3A_427 = tpu.memref_slice %arg7[%dma_start3A_423, %dma_start3A_425, %dma_start3A_426] : memref<4x400x64xf32, #tpu.memory_space<vmem>> -> memref<1x400x64xf32, #tpu.memory_space<vmem>>
        %dma_start3A_428 = tpu.memref_squeeze %dma_start3A_427 : memref<1x400x64xf32, #tpu.memory_space<vmem>> -> memref<400x64xf32, #tpu.memory_space<vmem>>
        %dma_start3A_429 = arith.constant 0 : i32
        %dma_start3A_430 = tpu.memref_slice %arg6[%dma_start3A_422, %dma_start3A_429] : memref<4x400xi32, #tpu.memory_space<vmem>> -> memref<1x400xi32, #tpu.memory_space<vmem>>
        %dma_start3A_431 = tpu.memref_squeeze %dma_start3A_430 : memref<1x400xi32, #tpu.memory_space<vmem>> -> memref<400xi32, #tpu.memory_space<vmem>>
        %dma_start3A_432 = arith.constant 0 : i32
        %dma_start3A_433 = arith.constant 0 : i32
        %dma_start3A_434 = tpu.memref_slice %arg4[%dma_start3A_432, %dma_start3A_433] : memref<1000000x64xf32, #tpu.memory_space<hbm>> -> memref<1000000x64xf32, #tpu.memory_space<hbm>>
        %dma_start3A_435 = tpu.memref_slice %arg9[%dma_start3A_424] : memref<4x!tpu.dma_semaphore, #tpu.memory_space<semaphore_mem>> -> memref<1x!tpu.dma_semaphore, #tpu.memory_space<semaphore_mem>>
        %dma_start3A_436 = tpu.memref_squeeze %dma_start3A_435 : memref<1x!tpu.dma_semaphore, #tpu.memory_space<semaphore_mem>> -> memref<!tpu.dma_semaphore, #tpu.memory_space<semaphore_mem>>
        tpu.enqueue_indirect_dma source(%dma_start3A_434 : memref<1000000x64xf32, #tpu.memory_space<hbm>>) target(%dma_start3A_428 : memref<400x64xf32, #tpu.memory_space<vmem>>) offsets(%dma_start3A_431 : memref<400xi32, #tpu.memory_space<vmem>>) semaphore(%dma_start3A_436 : memref<!tpu.dma_semaphore, #tpu.memory_space<semaphore_mem>>)
      } else {
      }
    }
    %scan3A_76 = arith.constant 16 : i32
    %add3A_77 = arith.constant 24000 : i32
    %add3A_78 = arith.addi %mul3A_2, %add3A_77 : i32
    %dma_wait3A = arith.constant 0 : i32
    %dma_wait3A_79 = arith.constant 0 : i32
    %dma_wait3A_80 = arith.constant 0 : i32
    %dma_wait3A_81 = arith.constant 0 : i32
    %dma_wait3A_82 = tpu.memref_slice %arg7[%dma_wait3A, %dma_wait3A_80, %dma_wait3A_81] : memref<4x400x64xf32, #tpu.memory_space<vmem>> -> memref<1x400x64xf32, #tpu.memory_space<vmem>>
    %dma_wait3A_83 = tpu.memref_squeeze %dma_wait3A_82 : memref<1x400x64xf32, #tpu.memory_space<vmem>> -> memref<400x64xf32, #tpu.memory_space<vmem>>
    %dma_wait3A_84 = arith.constant 0 : i32
    %dma_wait3A_85 = tpu.memref_slice %arg5[%add3A_78, %dma_wait3A_84] : memref<819200x64xf32, #tpu.memory_space<hbm>> -> memref<400x64xf32, #tpu.memory_space<hbm>>
    %dma_wait3A_86 = tpu.memref_slice %arg10[%dma_wait3A_79] : memref<4x!tpu.dma_semaphore, #tpu.memory_space<semaphore_mem>> -> memref<1x!tpu.dma_semaphore, #tpu.memory_space<semaphore_mem>>
    %dma_wait3A_87 = tpu.memref_squeeze %dma_wait3A_86 : memref<1x!tpu.dma_semaphore, #tpu.memory_space<semaphore_mem>> -> memref<!tpu.dma_semaphore, #tpu.memory_space<semaphore_mem>>
    %dma_wait3A_88 = arith.constant 0 : i32
    %dma_wait3A_89 = tpu.memref_slice %arg5[%add3A_78, %dma_wait3A_88] : memref<819200x64xf32, #tpu.memory_space<hbm>> -> memref<400x64xf32, #tpu.memory_space<hbm>>
    %dma_wait3A_90 = arith.constant 0 : i32
    %dma_wait3A_91 = arith.constant 0 : i32
    %dma_wait3A_92 = tpu.memref_slice %arg7[%dma_wait3A, %dma_wait3A_90, %dma_wait3A_91] : memref<4x400x64xf32, #tpu.memory_space<vmem>> -> memref<1x400x64xf32, #tpu.memory_space<vmem>>
    %dma_wait3A_93 = tpu.memref_squeeze %dma_wait3A_92 : memref<1x400x64xf32, #tpu.memory_space<vmem>> -> memref<400x64xf32, #tpu.memory_space<vmem>>
    tpu.wait_dma2 semaphore(%dma_wait3A_87 : memref<!tpu.dma_semaphore, #tpu.memory_space<semaphore_mem>>) src(%dma_wait3A_93 : memref<400x64xf32, #tpu.memory_space<vmem>>) dst(%dma_wait3A_89 : memref<400x64xf32, #tpu.memory_space<hbm>>)
    %add3A_94 = arith.constant 24400 : i32
    %add3A_95 = arith.addi %mul3A_2, %add3A_94 : i32
    %dma_wait3A_96 = arith.constant 1 : i32
    %dma_wait3A_97 = arith.constant 1 : i32
    %dma_wait3A_98 = arith.constant 0 : i32
    %dma_wait3A_99 = arith.constant 0 : i32
    %dma_wait3A_100 = tpu.memref_slice %arg7[%dma_wait3A_96, %dma_wait3A_98, %dma_wait3A_99] : memref<4x400x64xf32, #tpu.memory_space<vmem>> -> memref<1x400x64xf32, #tpu.memory_space<vmem>>
    %dma_wait3A_101 = tpu.memref_squeeze %dma_wait3A_100 : memref<1x400x64xf32, #tpu.memory_space<vmem>> -> memref<400x64xf32, #tpu.memory_space<vmem>>
    %dma_wait3A_102 = arith.constant 0 : i32
    %dma_wait3A_103 = tpu.memref_slice %arg5[%add3A_95, %dma_wait3A_102] : memref<819200x64xf32, #tpu.memory_space<hbm>> -> memref<400x64xf32, #tpu.memory_space<hbm>>
    %dma_wait3A_104 = tpu.memref_slice %arg10[%dma_wait3A_97] : memref<4x!tpu.dma_semaphore, #tpu.memory_space<semaphore_mem>> -> memref<1x!tpu.dma_semaphore, #tpu.memory_space<semaphore_mem>>
    %dma_wait3A_105 = tpu.memref_squeeze %dma_wait3A_104 : memref<1x!tpu.dma_semaphore, #tpu.memory_space<semaphore_mem>> -> memref<!tpu.dma_semaphore, #tpu.memory_space<semaphore_mem>>
    %dma_wait3A_106 = arith.constant 0 : i32
    %dma_wait3A_107 = tpu.memref_slice %arg5[%add3A_95, %dma_wait3A_106] : memref<819200x64xf32, #tpu.memory_space<hbm>> -> memref<400x64xf32, #tpu.memory_space<hbm>>
    %dma_wait3A_108 = arith.constant 0 : i32
    %dma_wait3A_109 = arith.constant 0 : i32
    %dma_wait3A_110 = tpu.memref_slice %arg7[%dma_wait3A_96, %dma_wait3A_108, %dma_wait3A_109] : memref<4x400x64xf32, #tpu.memory_space<vmem>> -> memref<1x400x64xf32, #tpu.memory_space<vmem>>
    %dma_wait3A_111 = tpu.memref_squeeze %dma_wait3A_110 : memref<1x400x64xf32, #tpu.memory_space<vmem>> -> memref<400x64xf32, #tpu.memory_space<vmem>>
    tpu.wait_dma2 semaphore(%dma_wait3A_105 : memref<!tpu.dma_semaphore, #tpu.memory_space<semaphore_mem>>) src(%dma_wait3A_111 : memref<400x64xf32, #tpu.memory_space<vmem>>) dst(%dma_wait3A_107 : memref<400x64xf32, #tpu.memory_space<hbm>>)
    %add3A_112 = arith.constant 24800 : i32
    %add3A_113 = arith.addi %mul3A_2, %add3A_112 : i32
    %dma_wait3A_114 = arith.constant 2 : i32
    %dma_wait3A_115 = arith.constant 2 : i32
    %dma_wait3A_116 = arith.constant 0 : i32
    %dma_wait3A_117 = arith.constant 0 : i32
    %dma_wait3A_118 = tpu.memref_slice %arg7[%dma_wait3A_114, %dma_wait3A_116, %dma_wait3A_117] : memref<4x400x64xf32, #tpu.memory_space<vmem>> -> memref<1x400x64xf32, #tpu.memory_space<vmem>>
    %dma_wait3A_119 = tpu.memref_squeeze %dma_wait3A_118 : memref<1x400x64xf32, #tpu.memory_space<vmem>> -> memref<400x64xf32, #tpu.memory_space<vmem>>
    %dma_wait3A_120 = arith.constant 0 : i32
    %dma_wait3A_121 = tpu.memref_slice %arg5[%add3A_113, %dma_wait3A_120] : memref<819200x64xf32, #tpu.memory_space<hbm>> -> memref<400x64xf32, #tpu.memory_space<hbm>>
    %dma_wait3A_122 = tpu.memref_slice %arg10[%dma_wait3A_115] : memref<4x!tpu.dma_semaphore, #tpu.memory_space<semaphore_mem>> -> memref<1x!tpu.dma_semaphore, #tpu.memory_space<semaphore_mem>>
    %dma_wait3A_123 = tpu.memref_squeeze %dma_wait3A_122 : memref<1x!tpu.dma_semaphore, #tpu.memory_space<semaphore_mem>> -> memref<!tpu.dma_semaphore, #tpu.memory_space<semaphore_mem>>
    %dma_wait3A_124 = arith.constant 0 : i32
    %dma_wait3A_125 = tpu.memref_slice %arg5[%add3A_113, %dma_wait3A_124] : memref<819200x64xf32, #tpu.memory_space<hbm>> -> memref<400x64xf32, #tpu.memory_space<hbm>>
    %dma_wait3A_126 = arith.constant 0 : i32
    %dma_wait3A_127 = arith.constant 0 : i32
    %dma_wait3A_128 = tpu.memref_slice %arg7[%dma_wait3A_114, %dma_wait3A_126, %dma_wait3A_127] : memref<4x400x64xf32, #tpu.memory_space<vmem>> -> memref<1x400x64xf32, #tpu.memory_space<vmem>>
    %dma_wait3A_129 = tpu.memref_squeeze %dma_wait3A_128 : memref<1x400x64xf32, #tpu.memory_space<vmem>> -> memref<400x64xf32, #tpu.memory_space<vmem>>
    tpu.wait_dma2 semaphore(%dma_wait3A_123 : memref<!tpu.dma_semaphore, #tpu.memory_space<semaphore_mem>>) src(%dma_wait3A_129 : memref<400x64xf32, #tpu.memory_space<vmem>>) dst(%dma_wait3A_125 : memref<400x64xf32, #tpu.memory_space<hbm>>)
    %add3A_130 = arith.constant 25200 : i32
    %add3A_131 = arith.addi %mul3A_2, %add3A_130 : i32
    %dma_wait3A_132 = arith.constant 3 : i32
    %dma_wait3A_133 = arith.constant 3 : i32
    %dma_wait3A_134 = arith.constant 0 : i32
    %dma_wait3A_135 = arith.constant 0 : i32
    %dma_wait3A_136 = tpu.memref_slice %arg7[%dma_wait3A_132, %dma_wait3A_134, %dma_wait3A_135] : memref<4x400x64xf32, #tpu.memory_space<vmem>> -> memref<1x400x64xf32, #tpu.memory_space<vmem>>
    %dma_wait3A_137 = tpu.memref_squeeze %dma_wait3A_136 : memref<1x400x64xf32, #tpu.memory_space<vmem>> -> memref<400x64xf32, #tpu.memory_space<vmem>>
    %dma_wait3A_138 = arith.constant 0 : i32
    %dma_wait3A_139 = tpu.memref_slice %arg5[%add3A_131, %dma_wait3A_138] : memref<819200x64xf32, #tpu.memory_space<hbm>> -> memref<400x64xf32, #tpu.memory_space<hbm>>
    %dma_wait3A_140 = tpu.memref_slice %arg10[%dma_wait3A_133] : memref<4x!tpu.dma_semaphore, #tpu.memory_space<semaphore_mem>> -> memref<1x!tpu.dma_semaphore, #tpu.memory_space<semaphore_mem>>
    %dma_wait3A_141 = tpu.memref_squeeze %dma_wait3A_140 : memref<1x!tpu.dma_semaphore, #tpu.memory_space<semaphore_mem>> -> memref<!tpu.dma_semaphore, #tpu.memory_space<semaphore_mem>>
    %dma_wait3A_142 = arith.constant 0 : i32
    %dma_wait3A_143 = tpu.memref_slice %arg5[%add3A_131, %dma_wait3A_142] : memref<819200x64xf32, #tpu.memory_space<hbm>> -> memref<400x64xf32, #tpu.memory_space<hbm>>
    %dma_wait3A_144 = arith.constant 0 : i32
    %dma_wait3A_145 = arith.constant 0 : i32
    %dma_wait3A_146 = tpu.memref_slice %arg7[%dma_wait3A_132, %dma_wait3A_144, %dma_wait3A_145] : memref<4x400x64xf32, #tpu.memory_space<vmem>> -> memref<1x400x64xf32, #tpu.memory_space<vmem>>
    %dma_wait3A_147 = tpu.memref_squeeze %dma_wait3A_146 : memref<1x400x64xf32, #tpu.memory_space<vmem>> -> memref<400x64xf32, #tpu.memory_space<vmem>>
    tpu.wait_dma2 semaphore(%dma_wait3A_141 : memref<!tpu.dma_semaphore, #tpu.memory_space<semaphore_mem>>) src(%dma_wait3A_147 : memref<400x64xf32, #tpu.memory_space<vmem>>) dst(%dma_wait3A_143 : memref<400x64xf32, #tpu.memory_space<hbm>>)
    return
  }
}

</mosaic_0001>

<sc_bundles>
// kernel: _embed.3.cloned.1.call-start
scs
__scs_entry_jumppad:
0x0: {  	(pc) =	sbr.rel $0x88, $3  }
0x1: {  	(tag) =	ssettag $0x0;
	lr =	simm.s32 $0x1  }
0x2: {  	[smem:$0x3F9E] =	sst lr;
	_ =	strace $0xD0000000  }
0x3: {  	_ = 	snop  }
0x4: {  	_ = 	snop  }
0x5: {  	_ = 	snop  }
0x6: {  	_ = 	snop  }
0x7: {  	_ = 	snop  }
__scs_overlays_trampoline_lowered:
0x8: {  	[smem:$0x3FAD] =	sst s0  }
0x9: {  	[smem:$0x3FAE] =	sst s1  }
0xa: {  	[smem:$0x3FAF] =	sst s2  }
0xb: {  	[smem:$0x3FB0] =	sst s3  }
0xc: {  	[smem:$0x3FB1] =	sst s4  }
0xd: {  	[smem:$0x3FB2] =	sst s5  }
0xe: {  	[smem:$0x3FB3] =	sst s6  }
0xf: {  	[smem:$0x3FB4] =	sst s7  }
0x10: {  	[smem:$0x3FB5] =	sst s8  }
0x11: {  	[smem:$0x3FB6] =	sst s9;
	s0 =	simm.s32 @!p0 $0x0  }
0x12: {  	s1 =	sld [smem:$0x3F9C];
	s0 =	simm.s32 @p0 $0x1  }
0x13: {  	[smem:$0x3FB7] =	sst s0;
	s0 =	simm.s32 @!p1 $0x0  }
0x14: {  	s2 =	sld [smem:$0x3F9B];
	s0 =	simm.s32 @p1 $0x1  }
0x15: {  	[smem:$0x3FB8] =	sst s0;
	s0 =	simm.s32 @!p2 $0x0  }
0x16: {  	s3 =	sld [smem:$0x3FDB];
	s0 =	simm.s32 @p2 $0x1  }
0x17: {  	s4 =	simm.s32 $0x1BF5;
	[smem:$0x3FBA] =	sst s0  }
0x18: {  	s0 =	sld [smem:$0x3F9D];
	_ =	swait.ge [sflag:s4], $0x0  }
0x19: {  	s7 =	sld [smem:$0x3F9E]  }
0x1a: {  	s8 =	sadd.s32 $0xFFFFE003, lr  }
0x1b: {  	s9 =	sadd.s32 $0xFFFFFEF7, lr;
	s5 =	simm.s32 $0xFFFFFFFF;
	p2 =	slt.u32 s8, $0xFFFFF086  }
0x1c: {  	p1 =	slt.u32 s9, $0xF7A;
	s5 =	simm.s32 @!p2 $0x0  }
0x1d: {  	s5 =	simm.s32 @p1 $0x1;
	p0 =	seq.s32 s7, s2  }
0x1e: {  	s7 =	smul.u32 @!p0 $0xF7A, s2;
	p2 =	seq.s32 @!p0 s5, $0x0  }
0x1f: {  	s9 =	smul.u32 $0xF7A, s1;
	s8 =	simm.s32 @!p0 $0x1BF5;
	p2 =	por !p2, p0  }
0x20: {  	[sflag:s8] =	ssyncset.s32 @!p0 $0xFFFFF086;
	s6 =	sadd.s32 @!p0 s3, s7;
	s7 =	simm.s32 @!p0 $0x108  }
0x21: {  	s3 =	sadd.s32 s3, s9;
	s6 =	sadd.s32 @!p0 $0x88, s6;
	s7 =	simm.s32 @p2 $0x1082  }
0x22: {  	[simem:s7], [sflag:s8] =	dma.local @!p0 [hbm:s6], $0xF7A  }
0x23: {  	s9 =	sor.u32 $0xD0000000, s2;
	s6 =	simm.s32 $0x108;
	_ =	swait.ge @!p0 [sflag:s8], $0x0  }
0x24: {  	s3 =	sadd.s32 $0x88, s3;
	s6 =	simm.s32 @!p1 $0x1082;
	[sflag:s4] =	ssyncset.s32 $0xFFFFF086  }
0x25: {  	[simem:s6], [sflag:s4] =	dma.local [hbm:s3], $0xF7A  }
0x26: {  	[smem:$0x3F9E] =	sst s1;
	(tag) =	ssettag s2;
	_ =	strace s9  }
0x27: {  	s1 =	sld [smem:$0x3FAE]  }
0x28: {  	s2 =	sld [smem:$0x3FAF]  }
0x29: {  	s4 =	sld [smem:$0x3FB1]  }
0x2a: {  	p0 =	seq.s32 s5, $0x0;
	s5 =	sld [smem:$0x3FB2]  }
0x2b: {  	s6 =	sld [smem:$0x3FB3]  }
0x2c: {  	s7 =	sld [smem:$0x3FB4]  }
0x2d: {  	s3 =	simm.s32 $0x108;
	s8 =	sld [smem:$0x3FB5]  }
0x2e: {  	s3 =	simm.s32 @!p0 $0x1082;
	s9 =	sld [smem:$0x3FB6]  }
0x2f: {  	lr =	sadd.s32 s0, s3;
	s0 =	sld [smem:$0x3FAD]  }
0x30: {  	s3 =	sld [smem:$0x3FB0]  }
0x31: {  	[smem:$0x3FB9] =	sst s10  }
0x32: {  	s10 =	sld [smem:$0x3FB7];
	_ =	sdelay $0x3  }
0x33: {  	p0 =	seq.s32 s10, $0x1;
	s10 =	sld [smem:$0x3FB9];
	_ =	sdelay $0x3  }
0x34: {  	[smem:$0x3FB9] =	sst s10  }
0x35: {  	s10 =	sld [smem:$0x3FB8];
	_ =	sdelay $0x3  }
0x36: {  	p1 =	seq.s32 s10, $0x1;
	s10 =	sld [smem:$0x3FB9];
	_ =	sdelay $0x3  }
0x37: {  	[smem:$0x3FB9] =	sst s10  }
0x38: {  	s10 =	sld [smem:$0x3FBA]  }
0x39: {  	_ = 	snop;
	(pc) =	sbr.ind lr, $3  }
0x3a: {  	_ = 	snop  }
0x3b: {  	_ = 	snop  }
0x3c: {  	p2 =	seq.s32 s10, $0x1;
	s10 =	sld [smem:$0x3FB9]  }
0x3d: {  	_ =	shalt  }
0x3e: {  	_ =	shalt  }
0x3f: {  	_ =	shalt  }
0x40: {  	_ =	shalt  }
0x41: {  	_ =	shalt  }
0x42: {  	_ =	shalt  }
0x43: {  	_ =	shalt  }
0x44: {  	_ =	shalt  }
0x45: {  	_ =	shalt  }
0x46: {  	_ =	shalt  }
0x47: {  	_ =	shalt  }
0x48: {  	_ =	shalt  }
0x49: {  	_ =	shalt  }
0x4a: {  	_ =	shalt  }
0x4b: {  	_ =	shalt  }
0x4c: {  	_ =	shalt  }
0x4d: {  	_ =	shalt  }
0x4e: {  	_ =	shalt  }
0x4f: {  	_ =	shalt  }
0x50: {  	_ =	shalt  }
0x51: {  	_ =	shalt  }
0x52: {  	_ =	shalt  }
0x53: {  	_ =	shalt  }
0x54: {  	_ =	shalt  }
0x55: {  	_ =	shalt  }
0x56: {  	_ =	shalt  }
0x57: {  	_ =	shalt  }
0x58: {  	_ =	shalt  }
0x59: {  	_ =	shalt  }
0x5a: {  	_ =	shalt  }
0x5b: {  	_ =	shalt  }
0x5c: {  	_ =	shalt  }
0x5d: {  	_ =	shalt  }
0x5e: {  	_ =	shalt  }
0x5f: {  	_ =	shalt  }
0x60: {  	_ =	shalt  }
0x61: {  	_ =	shalt  }
0x62: {  	_ =	shalt  }
0x63: {  	_ =	shalt  }
0x64: {  	_ =	shalt  }
0x65: {  	_ =	shalt  }
0x66: {  	_ =	shalt  }
0x67: {  	_ =	shalt  }
0x68: {  	_ =	shalt  }
0x69: {  	_ =	shalt  }
0x6a: {  	_ =	shalt  }
0x6b: {  	_ =	shalt  }
0x6c: {  	_ =	shalt  }
0x6d: {  	_ =	shalt  }
0x6e: {  	_ =	shalt  }
0x6f: {  	_ =	shalt  }
0x70: {  	_ =	shalt  }
0x71: {  	_ =	shalt  }
0x72: {  	_ =	shalt  }
0x73: {  	_ =	shalt  }
0x74: {  	_ =	shalt  }
0x75: {  	_ =	shalt  }
0x76: {  	_ =	shalt  }
0x77: {  	_ =	shalt  }
0x78: {  	_ =	shalt  }
0x79: {  	_ =	shalt  }
0x7a: {  	_ =	shalt  }
0x7b: {  	_ =	shalt  }
0x7c: {  	_ =	shalt  }
0x7d: {  	_ =	shalt  }
0x7e: {  	_ =	shalt  }
0x7f: {  	_ =	shalt  }
0x80: {  	_ =	shalt  }
0x81: {  	_ =	shalt  }
0x82: {  	_ =	shalt  }
0x83: {  	_ =	shalt  }
0x84: {  	_ =	shalt  }
0x85: {  	_ =	shalt  }
0x86: {  	_ =	shalt  }
0x87: {  	_ =	shalt  }
.Lfunc_end0:
.L_simem_size_0:
called_computation.1_lowered:
.L_overlay_start_0:
0x88: {  	s2 =	sld [smem:$0x3FD9]  }
0x89: {  	s3 =	sld [smem:$0x3FFE];
	_ =	sdelay $0x1  }
0x8a: {  	s1 =	srdreg.scid  }
0x8b: {  	s0 =	sand.u32 $0x1, s1  }
0x8c: {  	s17 =	sshll.u32 s0, $0xA;
	s2 =	sadd.s32 s3, s2  }
0x8d: {  	s2 =	sadd.s32 s2, s17  }
0x8e: {  	[smem:$0x3FC5] =	sst s2  }
0x8f: {  	_ = 	snop  }
0x90: {  	s2 =	sld [smem:$0x3FD0];
	(tm) =	ssettm $0x1  }
0x91: {  	s18 =	sld [smem:$0x3FFB];
	_ =	sdelay $0x3  }
0x92: {  	_ =	strace s18  }
0x93: {  	s3 =	sld [smem:$0x3FFC];
	_ =	sdelay $0x3  }
0x94: {  	_ =	strace s3  }
0x95: {  	s3 =	sld [smem:$0x3FFD];
	_ =	sdelay $0x3  }
0x96: {  	_ =	strace s3  }
0x97: {  	_ =	strace $0x8FFFFFFF  }
0x98: {  	s19 =	sld [smem:$0x3FDB];
	_ =	sdelay $0x1  }
0x99: {  	s4 =	simm.s32 $_scs_section_size  }
0x9a: {  	s5 =	simm.s32 $_size__tile_overlayer_lowered;
	s6 =	simm.s32 $_tile_overlayer_lowered  }
0x9b: {  	s22 =	simm.s32 $0x1BFF;
	s21 =	sshll.u32 s6, $0x1;
	s3 =	sadd.s32 s4, s19  }
0x9c: {  	s7 =	simm.s32 $0x0;
	s20 =	sshll.u32 s5, $0x1;
	s5 =	sadd.s32 s21, s3  }
0x9d: {  	[timem:s7], [sflag:s22] =	dma.local [hbm:s5], s20  }
0x9e: {  	_ =	swait.ge [sflag:s22], s20  }
0x9f: {  	s4 =	ssub.s32 $0x0, s20;
	[sflag:s22] =	ssyncset.done $0x0  }
0xa0: {  	[sflag:s22] =	ssyncadd.s32 s4;
	_ =	sdelay $0x1  }
0xa1: {  	s23 =	simm.s32 $0x1B8B  }
0xa2: {  	_ =	swait.ge [sflag:s23], $0x1  }
0xa3: {  	[sflag:s23] =	ssyncset.done $0x0  }
0xa4: {  	s25 =	simm.s32 $0x1B8E;
	s24 =	sld [smem:$0x3FFE];
	[sflag:s23] =	ssyncadd.s32 $0xFFFFFFFF  }
0xa5: {  	s26 =	simm.s32 $execute0_lowered;
	[smem:$0x3FD2] =	sst s25  }
0xa6: {  	s5 =	sshll.u32 s26, $0x1;
	_ =	strace $0x80000046;
	[dreg:$0x1] =	wrdreg $0xFFFFFFFF  }
0xa7: {  	s28 =	simm.s32 $_size_execute0_lowered;
	s3 =	sadd.s32 s3, s5;
	[dreg:$0x0] =	wrdreg $0x0  }
0xa8: {  	s5 =	sshll.u32 s28, $0x1;
	[dreg:$0x2] =	wrdreg s3  }
0xa9: {  	[dreg:$0x3] =	wrdreg s5  }
0xaa: {  	[dreg:$0x4] =	wrdreg $0xC0  }
0xab: {  	_ =	task [dreg:s7], $0x5FFFF  }
0xac: {  	[dreg:$0x1] =	wrdreg $0xFFFFFFFF  }
0xad: {  	[dreg:$0x0] =	wrdreg $0x60  }
0xae: {  	[dreg:$0x2] =	wrdreg s24  }
0xaf: {  	[dreg:$0x3] =	wrdreg s2  }
0xb0: {  	[dreg:$0x4] =	wrdreg $0x9  }
0xb1: {  	_ =	task.clear_ibuf [dreg:s7], $0x5FFFF;
	_ =	strace $0x90000046  }
0xb2: {  	s29 =	simm.s32 $0x9;
	_ =	strace $0x80000048  }
0xb3: {  	_ =	swait.ge [sflag:s29], $0x1  }
0xb4: {  	[sflag:s29] =	ssyncadd.s32 $0xFFFFFFFF  }
0xb5: {  	_ =	strace $0x90000048  }
0xb6: {  	_ =	sfence  }
0xb7: {  	s30 =	sld [smem:$0x0];
	_ =	sdelay $0x2  }
0xb8: {  	s31 =	sshll.u32 s1, $0xD;
	s1 =	sshrl.u32 s1, $0x2  }
0xb9: {  	s3 =	sand.u32 $0x4000, s31;
	s1 =	sadd.s32 s1, s30  }
0xba: {  	s0 =	sor.u32 s3, s0;
	s1 =	sshll.u32 s1, $0x11  }
0xbb: {  	s0 =	sor.u32 s1, s0  }
0xbc: {  	s0 =	sadd.s32 $0x8F2B, s0  }
0xbd: {  	[sflag:s0] =	ssyncadd.remote.s32 $0x1  }
0xbe: {  	_ =	sfence.sel $0xFFFF  }
0xbf: {  	[dreg:$0x0] =	wrdreg $0xFFFFFFFF;
	(pc) =	sbr.abs _section_cstart, $3  }
0xc0: {  	[dreg:$0x1] =	wrdreg $0xFFFFFFFF  }
0xc1: {  	_ =	task.clear_ibuf [dreg:s7], $0x2FFFF;
	_ =	strace $0x9FFFFFFF  }
0xc2: {  	(tm) =	ssettm $0x7FFFFFFF  }
0xc3: {  	_ =	shalt  }
tec
execute0_lowered:
.L_overlay_start_1:
0x0: {  	(tag) =	ssettag $0x1  }
0x1: {  	s0 =	rddreg [dreg:$0x0];
	s1 =	srdreg.scid  }
0x2: {  	s3 =	stileid.u32;
	s2 =	rddreg [dreg:$0x1];
	s21 =	simm.s32 $0xD  }
0x3: {  	s28 =	simm.s32 $0x4B0;
	s29 =	simm.s32 $0x13240;
	s30 =	simm.s32 $0x1  }
0x4: {  	s31 =	simm.s32 $0x2;
	s20 =	simm.s32 $0x7;
	s10 =	simm.s32 $0xB  }
0x5: {  	s11 =	simm.s32 $0xC;
	s1 =	sand.u32 $0x1, s1;
	s4 =	sshll.u32 s3, $0x1  }
0x6: {  	s3 =	simm.s32 $0x0;
	s5 =	sadd.s32 $0xC00, s0;
	s6 =	sadd.s32 $0x19C00, s0  }
0x7: {  	s7 =	sadd.s32 $0xF43000, s0;
	s4 =	sor.u32 s1, s4;
	[smem:$0x7FF] =	sst s3  }
0x8: {  	s22 =	ssub.s32 $0x2, s1;
	s4 =	smul.u32 $0x6400, s4;
	_ =	strace $0x80000047  }
0x9: {  	[dreg:$0x3] =	wrdreg s6;
	s24 =	sshrl.u32 s22, $0x1;
	s6 =	simm.s32 $0x8  }
0xa: {  	s0 =	ssub.s32 s22, s24;
	s22 =	simm.s32 $0x190;
	s24 =	simm.s32 $0x6A40  }
0xb: {  	s23 =	sshrl.u32 s4, $0x3;
	s9 =	sadd.s32 $0x4B0, s4;
	s13 =	sadd.s32 $0x640, s4  }
0xc: {  	s14 =	sadd.s32 $0x7D0, s4;
	s15 =	sor.u32 $0x190, s4;
	s16 =	sadd.s32 $0x960, s4  }
0xd: {  	s17 =	sor.u32 $0x320, s4;
	s18 =	sadd.s32 $0xAF0, s4;
	s0 =	smax.u32 s0, $0x1  }
.Ltmp0:
0xe: {  	s8 =	sadd.s32 s5, s23;
	[dreg:$0x8] =	wrdreg s0;
	(pc) =	sbr.rel .LBB2_1-.Ltmp0, $4  }
0xf: {  	s25 =	sshrl.u32 s9, $0x3;
	s1 =	sadd.s32 $0x32, s8;
	[dreg:$0x4] =	wrdreg s8  }
0x10: {  	s23 =	simm.s32 $0x640;
	s26 =	sadd.s32 $0x64, s8;
	[dreg:$0x5] =	wrdreg s1  }
0x11: {  	[dreg:$0x6] =	wrdreg s26;
	s1 =	sadd.s32 s5, s25;
	s25 =	simm.s32 $0x320  }
0x12: {  	s26 =	simm.s32 $0xCE40;
	[dreg:$0x7] =	wrdreg s1;
	s1 =	simm.s32 $0x0  }
.LBB2_16:
0x13: {  	s0 =	simm.s32 $0x5  }
0x14: {  	_ =	swait.ge [sflag:s0], $0x6400  }
0x15: {  	[sflag:s0] =	ssyncset.done $0x0  }
0x16: {  	s12 =	simm.s32 $0x6;
	[sflag:s0] =	ssyncadd.s32 $0xFFFF9C00  }
0x17: {  	_ =	swait.ge [sflag:s12], $0x6400  }
0x18: {  	[sflag:s12] =	ssyncset.done $0x0  }
0x19: {  	[sflag:s12] =	ssyncadd.s32 $0xFFFF9C00  }
0x1a: {  	_ =	swait.ge [sflag:s20], $0x6400  }
0x1b: {  	[sflag:s20] =	ssyncset.done $0x0  }
0x1c: {  	[sflag:s20] =	ssyncadd.s32 $0xFFFF9C00  }
0x1d: {  	_ =	swait.ge [sflag:s6], $0x6400  }
0x1e: {  	s1 =	rddreg [dreg:$0x9]  }
0x1f: {  	s19 =	rddreg [dreg:$0x8];
	s1 =	sadd.s32 $0x1, s1  }
0x20: {  	p0 =	sne.s32 s1, s19  }
.Ltmp1:
0x21: {  	_ = 	snop;
	(pc) =	sbr.rel @!p0 .LBB2_17-.Ltmp1, $3  }
0x22: {  	_ =	sdelay $0x1  }
0x23: {  	[sflag:s6] =	ssyncset.done $0x0  }
0x24: {  	[sflag:s6] =	ssyncadd.s32 $0xFFFF9C00  }
.LBB2_1:
0x25: {  	[dreg:$0x9] =	wrdreg s1  }
0x26: {  	s0 =	rddreg [dreg:$0x3];
	s19 =	simm.s32 $0x19640  }
0x27: {  	[tilespmem:s19], [sflag:$0xD] =	stream.linear.gather [hbm4b:s0+s3], $0x3200, $0x38;
	[tilespmem:$0x1C840] =	vst v63  }
0x28: {  	_ =	swait.ge [sflag:s21], $0x3200  }
0x29: {  	[sflag:s21] =	ssyncset.done $0x0  }
0x2a: {  	s1 =	rddreg [dreg:$0x4];
	[sflag:s21] =	ssyncadd.s32 $0xFFFFCE00  }
0x2b: {  	[tilespmem:s3], [sflag:$0xD] =	stream.linear.gather [hbm4b:s1+s3], $0x190, $0x38;
	[tilespmem:$0x1C840] =	vst v63  }
0x2c: {  	_ =	swait.ge [sflag:s21], $0x190  }
0x2d: {  	[sflag:s21] =	ssyncset.done $0x0  }
0x2e: {  	[sflag:s21] =	ssyncadd.s32 $0xFFFFFE70  }
0x2f: {  	[tilespmem:s23], [sflag:$0x1] =	stream.indirect.gather [hbm4b:s7+s22], $0x40, s3, s22, $0xb8;
	[tilespmem:$0x1C840] =	vst v63  }
0x30: {  	s8 =	rddreg [dreg:$0x5]  }
0x31: {  	[tilespmem:s22], [sflag:$0xD] =	stream.linear.gather [hbm4b:s8+s3], $0x190, $0x38;
	[tilespmem:$0x1C840] =	vst v63  }
0x32: {  	_ =	swait.ge [sflag:s21], $0x190  }
0x33: {  	[sflag:s21] =	ssyncset.done $0x0  }
0x34: {  	[sflag:s21] =	ssyncadd.s32 $0xFFFFFE70  }
0x35: {  	[tilespmem:s24], [sflag:$0x2] =	stream.indirect.gather [hbm4b:s7+s22], $0x40, s22, s22, $0xb8;
	[tilespmem:$0x1C840] =	vst v63  }
0x36: {  	s12 =	rddreg [dreg:$0x6]  }
0x37: {  	[tilespmem:s25], [sflag:$0xD] =	stream.linear.gather [hbm4b:s12+s3], $0x190, $0x38;
	[tilespmem:$0x1C840] =	vst v63  }
0x38: {  	_ =	swait.ge [sflag:s21], $0x190  }
0x39: {  	[sflag:s21] =	ssyncset.done $0x0  }
0x3a: {  	[sflag:s21] =	ssyncadd.s32 $0xFFFFFE70  }
0x3b: {  	[tilespmem:s26], [sflag:$0x3] =	stream.indirect.gather [hbm4b:s7+s22], $0x40, s25, s22, $0xb8;
	[tilespmem:$0x1C840] =	vst v63  }
0x3c: {  	s19 =	rddreg [dreg:$0x7]  }
0x3d: {  	[tilespmem:s28], [sflag:$0xD] =	stream.linear.gather [hbm4b:s19+s3], $0x190, $0x38;
	[tilespmem:$0x1C840] =	vst v63  }
0x3e: {  	_ =	swait.ge [sflag:s21], $0x190  }
0x3f: {  	[sflag:s21] =	ssyncset.done $0x0  }
0x40: {  	s19 =	simm.s32 $0x0;
	[sflag:s21] =	ssyncadd.s32 $0xFFFFFE70  }
0x41: {  	[tilespmem:s29], [sflag:$0x4] =	stream.indirect.gather [hbm4b:s7+s22], $0x40, s28, s22, $0xb8;
	[tilespmem:$0x1C840] =	vst v63  }
.LBB2_2:
0x42: {  	p0 =	seq.s32 s19, $0xF  }
0x43: {  	s0 =	smul.u32 @!p0 $0x640, s19;
	_ =	sdelay $0x1  }
0x44: {  	_ =	swait.ge [sflag:s30], $0x6400;
	s0 =	sadd.s32 @!p0 s0, s13  }
0x45: {  	[sflag:s30] =	ssyncset.done $0x0;
	s0 =	sshrl.u32 @!p0 s0, $0x3  }
0x46: {  	s1 =	simm.s32 @!p0 $0x0;
	[sflag:s30] =	ssyncadd.s32 $0xFFFF9C00;
	s0 =	sadd.s32 @!p0 s5, s0  }
0x47: {  	[tilespmem:s1], [sflag:$0x9] =	stream.linear.gather @!p0 [hbm4b:s0+s1], $0x190, $0x38;
	[tilespmem:$0x1C840] =	vst v63  }
0x48: {  	s1 =	simm.s32 $0x0  }
0x49: {  	v3 =	vld [tilespmem:s1+$0x19640]  }
0x4a: {  	v1 =	vld [tilespmem:s1+$0x19650]  }
0x4b: {  	v0 =	vld [tilespmem:s1+$0x19660]  }
0x4c: {  	v2 =	vld [tilespmem:s1+$0x19670]  }
0x4d: {  	v8 =	vld [tilespmem:s1+$0x640]  }
0x4e: {  	v10 =	vld [tilespmem:s1+$0x3840]  }
0x4f: {  	v7 =	vld [tilespmem:s1+$0x650]  }
0x50: {  	v6 =	vld [tilespmem:s1+$0x3850]  }
0x51: {  	v4 =	vld [tilespmem:s1+$0x660]  }
0x52: {  	v5 =	vld [tilespmem:s1+$0x3860];
	v9 =	vadd.f32 v8, v3  }
0x53: {  	s8 =	simm.s32 $0x100;
	v8 =	vadd.f32 v10, v3;
	v3 =	vld [tilespmem:s1+$0x670]  }
.LBB2_3:
0x54: {  	s0 =	sshra.s32 s8, $0x2;
	p1 =	sne.s32 s8, $0xC700;
	[tilespmem:s1+$0x640] =	vst v9;
	v7 =	vadd.f32 v7, v1;
	v9 =	vld [tilespmem:s1+$0x3870]  }
0x55: {  	v10 =	vld [tilespmem:s0+$0x19640];
	[tilespmem:s1+$0x3840] =	vst v8;
	v6 =	vadd.f32 v6, v1  }
0x56: {  	v1 =	vld [tilespmem:s0+$0x19650];
	[tilespmem:s1+$0x650] =	vst v7;
	v4 =	vadd.f32 v4, v0  }
0x57: {  	[tilespmem:s1+$0x3850] =	vst v6;
	v5 =	vadd.f32 v5, v0;
	v0 =	vld [tilespmem:s0+$0x19660]  }
0x58: {  	v8 =	vld [tilespmem:s0+$0x19670];
	[tilespmem:s1+$0x660] =	vst v4;
	v3 =	vadd.f32 v3, v2  }
0x59: {  	v11 =	vld [tilespmem:s0+$0x640];
	[tilespmem:s1+$0x3860] =	vst v5;
	v2 =	vadd.f32 v9, v2  }
0x5a: {  	v12 =	vld [tilespmem:s0+$0x3840];
	[tilespmem:s1+$0x670] =	vst v3  }
.Ltmp2:
0x5b: {  	v7 =	vld [tilespmem:s0+$0x650];
	[tilespmem:s1+$0x3870] =	vst v2;
	s1 =	smov.u32 s0;
	(pc) =	sbr.rel @p1 .LBB2_3-.Ltmp2, $4  }
0x5c: {  	v6 =	vld [tilespmem:s1+$0x3850]  }
0x5d: {  	v4 =	vld [tilespmem:s1+$0x660];
	v2 =	vmov v8  }
0x5e: {  	v9 =	vadd.f32 v11, v10;
	v5 =	vld [tilespmem:s1+$0x3860]  }
0x5f: {  	s8 =	sadd.s32 $0x100, s8;
	v8 =	vadd.f32 v12, v10;
	v3 =	vld [tilespmem:s1+$0x670]  }
0x60: {  	[tilespmem:s1+$0x640] =	vst v9;
	v7 =	vadd.f32 v7, v1;
	v59 =	vld [tilespmem:s1+$0x3870]  }
0x61: {  	[tilespmem:s1+$0x3840] =	vst v8;
	v60 =	vadd.f32 v6, v1  }
0x62: {  	[tilespmem:s1+$0x650] =	vst v7;
	v4 =	vadd.f32 v4, v0  }
0x63: {  	s8 =	smul.u32 $0x640, s19;
	p1 =	sne.s32 s19, $0x0;
	[tilespmem:s1+$0x3850] =	vst v60;
	v61 =	vadd.f32 v5, v0  }
.Ltmp3:
0x64: {  	[tilespmem:s1+$0x660] =	vst v4;
	v62 =	vadd.f32 v3, v2;
	(pc) =	sbr.rel @!p1 .LBB2_5-.Ltmp3, $4  }
0x65: {  	s0 =	sadd.s32 s4, s8;
	[tilespmem:s1+$0x3860] =	vst v61;
	v63 =	vadd.f32 v59, v2  }
0x66: {  	s0 =	sshll.u32 s0, $0x3;
	[tilespmem:s1+$0x670] =	vst v62  }
0x67: {  	s0 =	sadd.s32 s2, s0;
	[tilespmem:s1+$0x3870] =	vst v63  }
0x68: {  	[hbm4b:s0+s3] =	stream.linear.scatter [tilespmem:s23], [sflag:$0x5], $0x6400, $0x38;
	[tilespmem:$0x1C840] =	vst v63  }
0x69: {  	_ =	swait.ge [sflag:s6], $0x6400  }
0x6a: {  	[sflag:s6] =	ssyncset.done $0x0  }
0x6b: {  	[sflag:s6] =	ssyncadd.s32 $0xFFFF9C00  }
0x6c: {  	_ =	swait.ge [sflag:s11], $0x190  }
0x6d: {  	[sflag:s11] =	ssyncset.done $0x0  }
0x6e: {  	[sflag:s11] =	ssyncadd.s32 $0xFFFFFE70  }
0x6f: {  	[tilespmem:s29], [sflag:$0x4] =	stream.indirect.gather [hbm4b:s7+s22], $0x40, s28, s22, $0xb8;
	[tilespmem:$0x1C840] =	vst v63  }
.Ltmp4:
0x70: {  	_ = 	snop;
	(pc) =	sbr.rel @p0 .LBB2_8-.Ltmp4, $4  }
.Ltmp5:
0x71: {  	_ = 	snop;
	(pc) =	sbr.rel @!p0 .LBB2_7-.Ltmp5, $4  }
0x72: {  	_ =	swait.ge [sflag:s31], $0x6400  }
0x73: {  	[sflag:s31] =	ssyncset.done $0x0  }
0x74: {  	[sflag:s31] =	ssyncadd.s32 $0xFFFF9C00  }
0x75: {  	_ = 	snop  }
.LBB2_5:
0x76: {  	_ =	swait.ge [sflag:s31], $0x6400  }
0x77: {  	[sflag:s31] =	ssyncset.done $0x0  }
0x78: {  	[sflag:s31] =	ssyncadd.s32 $0xFFFF9C00  }
.LBB2_7:
0x79: {  	s0 =	sadd.s32 s8, s14  }
0x7a: {  	s0 =	sshrl.u32 s0, $0x3  }
0x7b: {  	s0 =	sadd.s32 s5, s0  }
0x7c: {  	[tilespmem:s22], [sflag:$0xA] =	stream.linear.gather [hbm4b:s0+s3], $0x190, $0x38;
	[tilespmem:$0x1C840] =	vst v63  }
.LBB2_8:
0x7d: {  	s1 =	simm.s32 $0x0  }
0x7e: {  	v3 =	vld [tilespmem:s1+$0x19640]  }
0x7f: {  	v1 =	vld [tilespmem:s1+$0x19650]  }
0x80: {  	v0 =	vld [tilespmem:s1+$0x19660]  }
0x81: {  	v2 =	vld [tilespmem:s1+$0x19670]  }
0x82: {  	v8 =	vld [tilespmem:s1+$0x6A40]  }
0x83: {  	v10 =	vld [tilespmem:s1+$0x9C40]  }
0x84: {  	v7 =	vld [tilespmem:s1+$0x6A50]  }
0x85: {  	v6 =	vld [tilespmem:s1+$0x9C50]  }
0x86: {  	v4 =	vld [tilespmem:s1+$0x6A60]  }
0x87: {  	v5 =	vld [tilespmem:s1+$0x9C60];
	v9 =	vadd.f32 v8, v3  }
0x88: {  	s0 =	simm.s32 $0x100;
	v8 =	vadd.f32 v10, v3;
	v3 =	vld [tilespmem:s1+$0x6A70]  }
.LBB2_9:
0x89: {  	s12 =	sshra.s32 s0, $0x2;
	p1 =	sne.s32 s0, $0xC700;
	[tilespmem:s1+$0x6A40] =	vst v9;
	v7 =	vadd.f32 v7, v1;
	v9 =	vld [tilespmem:s1+$0x9C70]  }
0x8a: {  	v10 =	vld [tilespmem:s12+$0x19640];
	[tilespmem:s1+$0x9C40] =	vst v8;
	v6 =	vadd.f32 v6, v1  }
0x8b: {  	v1 =	vld [tilespmem:s12+$0x19650];
	[tilespmem:s1+$0x6A50] =	vst v7;
	v4 =	vadd.f32 v4, v0  }
0x8c: {  	[tilespmem:s1+$0x9C50] =	vst v6;
	v5 =	vadd.f32 v5, v0;
	v0 =	vld [tilespmem:s12+$0x19660]  }
0x8d: {  	v8 =	vld [tilespmem:s12+$0x19670];
	[tilespmem:s1+$0x6A60] =	vst v4;
	v3 =	vadd.f32 v3, v2  }
0x8e: {  	v11 =	vld [tilespmem:s12+$0x6A40];
	[tilespmem:s1+$0x9C60] =	vst v5;
	v2 =	vadd.f32 v9, v2  }
0x8f: {  	v12 =	vld [tilespmem:s12+$0x9C40];
	[tilespmem:s1+$0x6A70] =	vst v3  }
.Ltmp6:
0x90: {  	v7 =	vld [tilespmem:s12+$0x6A50];
	[tilespmem:s1+$0x9C70] =	vst v2;
	s1 =	smov.u32 s12;
	(pc) =	sbr.rel @p1 .LBB2_9-.Ltmp6, $4  }
0x91: {  	v6 =	vld [tilespmem:s1+$0x9C50]  }
0x92: {  	v4 =	vld [tilespmem:s1+$0x6A60];
	v2 =	vmov v8  }
0x93: {  	v9 =	vadd.f32 v11, v10;
	v5 =	vld [tilespmem:s1+$0x9C60]  }
0x94: {  	s0 =	sadd.s32 $0x100, s0;
	v8 =	vadd.f32 v12, v10;
	v3 =	vld [tilespmem:s1+$0x6A70]  }
0x95: {  	[tilespmem:s1+$0x6A40] =	vst v9;
	v7 =	vadd.f32 v7, v1;
	v9 =	vld [tilespmem:s1+$0x9C70]  }
0x96: {  	[tilespmem:s1+$0x9C40] =	vst v8;
	v1 =	vadd.f32 v6, v1  }
0x97: {  	[tilespmem:s1+$0x6A50] =	vst v7;
	v4 =	vadd.f32 v4, v0  }
0x98: {  	[tilespmem:s1+$0x9C50] =	vst v1;
	v0 =	vadd.f32 v5, v0  }
0x99: {  	s0 =	sadd.s32 s8, s15;
	[tilespmem:s1+$0x6A60] =	vst v4;
	v1 =	vadd.f32 v3, v2  }
0x9a: {  	s0 =	sshll.u32 s0, $0x3;
	[tilespmem:s1+$0x9C60] =	vst v0;
	v0 =	vadd.f32 v9, v2  }
0x9b: {  	s0 =	sand.u32 $0x1FFFFE80, s0;
	[tilespmem:s1+$0x6A70] =	vst v1  }
0x9c: {  	p1 =	sne.s32 s19, $0xF;
	s0 =	sadd.s32 s2, s0;
	[tilespmem:s1+$0x9C70] =	vst v0  }
0x9d: {  	[hbm4b:s0+s3] =	stream.linear.scatter [tilespmem:s24], [sflag:$0x6], $0x6400, $0x38;
	[tilespmem:$0x1C840] =	vst v63  }
0x9e: {  	s0 =	simm.s32 @p1 $0x5  }
0x9f: {  	_ =	swait.ge @p1 [sflag:s0], $0x6400  }
0xa0: {  	[sflag:s0] =	ssyncset.done @p1 $0x0  }
0xa1: {  	[sflag:s0] =	ssyncadd.s32 @p1 $0xFFFF9C00;
	s0 =	simm.s32 @p1 $0x9  }
0xa2: {  	_ =	swait.ge @p1 [sflag:s0], $0x190  }
0xa3: {  	s12 =	simm.s32 @p1 $0x640;
	[sflag:s0] =	ssyncset.done @p1 $0x0  }
0xa4: {  	s1 =	simm.s32 @p1 $0x0;
	[sflag:s0] =	ssyncadd.s32 @p1 $0xFFFFFE70;
	s0 =	simm.s32 @p1 $0x190  }
0xa5: {  	[tilespmem:s12], [sflag:$0x1] =	stream.indirect.gather @p1 [hbm4b:s7+s0], $0x40, s1, s0, $0xb8;
	[tilespmem:$0x1C840] =	vst v63  }
0xa6: {  	s0 =	simm.s32 @p1 $0x3  }
0xa7: {  	s12 =	sadd.s32 @p1 s8, s16;
	_ =	swait.ge @p1 [sflag:s0], $0x6400  }
0xa8: {  	s12 =	sshrl.u32 @p1 s12, $0x3;
	[sflag:s0] =	ssyncset.done @p1 $0x0  }
0xa9: {  	[sflag:s0] =	ssyncadd.s32 @p1 $0xFFFF9C00;
	s0 =	sadd.s32 @p1 s5, s12;
	s12 =	simm.s32 @p1 $0x320  }
0xaa: {  	[tilespmem:s12], [sflag:$0xB] =	stream.linear.gather @p1 [hbm4b:s0+s1], $0x190, $0x38;
	[tilespmem:$0x1C840] =	vst v63  }
0xab: {  	s0 =	simm.s32 @!p1 $0x3  }
0xac: {  	_ =	swait.ge @!p1 [sflag:s0], $0x6400  }
0xad: {  	[sflag:s0] =	ssyncset.done @!p1 $0x0  }
0xae: {  	s1 =	simm.s32 $0x0;
	[sflag:s0] =	ssyncadd.s32 @!p1 $0xFFFF9C00  }
0xaf: {  	v3 =	vld [tilespmem:s1+$0x19640]  }
0xb0: {  	v1 =	vld [tilespmem:s1+$0x19650]  }
0xb1: {  	v0 =	vld [tilespmem:s1+$0x19660]  }
0xb2: {  	v2 =	vld [tilespmem:s1+$0x19670]  }
0xb3: {  	v8 =	vld [tilespmem:s1+$0xCE40]  }
0xb4: {  	v10 =	vld [tilespmem:s1+$0x10040]  }
0xb5: {  	v7 =	vld [tilespmem:s1+$0xCE50]  }
0xb6: {  	v6 =	vld [tilespmem:s1+$0x10050]  }
0xb7: {  	v4 =	vld [tilespmem:s1+$0xCE60]  }
0xb8: {  	v5 =	vld [tilespmem:s1+$0x10060];
	v9 =	vadd.f32 v8, v3  }
0xb9: {  	s0 =	simm.s32 $0x100;
	v8 =	vadd.f32 v10, v3;
	v3 =	vld [tilespmem:s1+$0xCE70]  }
.LBB2_11:
0xba: {  	s12 =	sshra.s32 s0, $0x2;
	p2 =	sne.s32 s0, $0xC700;
	[tilespmem:s1+$0xCE40] =	vst v9;
	v7 =	vadd.f32 v7, v1;
	v9 =	vld [tilespmem:s1+$0x10070]  }
0xbb: {  	v10 =	vld [tilespmem:s12+$0x19640];
	[tilespmem:s1+$0x10040] =	vst v8;
	v6 =	vadd.f32 v6, v1  }
0xbc: {  	v1 =	vld [tilespmem:s12+$0x19650];
	[tilespmem:s1+$0xCE50] =	vst v7;
	v4 =	vadd.f32 v4, v0  }
0xbd: {  	[tilespmem:s1+$0x10050] =	vst v6;
	v5 =	vadd.f32 v5, v0;
	v0 =	vld [tilespmem:s12+$0x19660]  }
0xbe: {  	v8 =	vld [tilespmem:s12+$0x19670];
	[tilespmem:s1+$0xCE60] =	vst v4;
	v3 =	vadd.f32 v3, v2  }
0xbf: {  	v11 =	vld [tilespmem:s12+$0xCE40];
	[tilespmem:s1+$0x10060] =	vst v5;
	v2 =	vadd.f32 v9, v2  }
0xc0: {  	v12 =	vld [tilespmem:s12+$0x10040];
	[tilespmem:s1+$0xCE70] =	vst v3  }
.Ltmp7:
0xc1: {  	v7 =	vld [tilespmem:s12+$0xCE50];
	[tilespmem:s1+$0x10070] =	vst v2;
	s1 =	smov.u32 s12;
	(pc) =	sbr.rel @p2 .LBB2_11-.Ltmp7, $4  }
0xc2: {  	v6 =	vld [tilespmem:s1+$0x10050]  }
0xc3: {  	v4 =	vld [tilespmem:s1+$0xCE60];
	v2 =	vmov v8  }
0xc4: {  	v9 =	vadd.f32 v11, v10;
	v5 =	vld [tilespmem:s1+$0x10060]  }
0xc5: {  	s0 =	sadd.s32 $0x100, s0;
	v8 =	vadd.f32 v12, v10;
	v3 =	vld [tilespmem:s1+$0xCE70]  }
0xc6: {  	[tilespmem:s1+$0xCE40] =	vst v9;
	v7 =	vadd.f32 v7, v1;
	v9 =	vld [tilespmem:s1+$0x10070]  }
0xc7: {  	[tilespmem:s1+$0x10040] =	vst v8;
	v1 =	vadd.f32 v6, v1  }
0xc8: {  	[tilespmem:s1+$0xCE50] =	vst v7;
	v4 =	vadd.f32 v4, v0  }
0xc9: {  	[tilespmem:s1+$0x10050] =	vst v1;
	v0 =	vadd.f32 v5, v0  }
0xca: {  	s0 =	sadd.s32 s8, s17;
	[tilespmem:s1+$0xCE60] =	vst v4;
	v1 =	vadd.f32 v3, v2  }
0xcb: {  	s0 =	sshll.u32 s0, $0x3;
	[tilespmem:s1+$0x10060] =	vst v0;
	v0 =	vadd.f32 v9, v2  }
0xcc: {  	s0 =	sand.u32 $0x1FFFFF00, s0;
	[tilespmem:s1+$0xCE70] =	vst v1  }
0xcd: {  	s0 =	sadd.s32 s2, s0;
	[tilespmem:s1+$0x10070] =	vst v0  }
0xce: {  	[hbm4b:s0+s3] =	stream.linear.scatter [tilespmem:s26], [sflag:$0x7], $0x6400, $0x38;
	[tilespmem:$0x1C840] =	vst v63  }
0xcf: {  	s0 =	simm.s32 @p1 $0x6  }
0xd0: {  	_ =	swait.ge @p1 [sflag:s0], $0x6400  }
0xd1: {  	[sflag:s0] =	ssyncset.done @p1 $0x0  }
0xd2: {  	[sflag:s0] =	ssyncadd.s32 @p1 $0xFFFF9C00;
	s0 =	simm.s32 @p1 $0xA  }
0xd3: {  	_ =	swait.ge @p1 [sflag:s0], $0x190  }
0xd4: {  	[sflag:s0] =	ssyncset.done @p1 $0x0  }
0xd5: {  	s1 =	simm.s32 @p1 $0x6A40;
	[sflag:s0] =	ssyncadd.s32 @p1 $0xFFFFFE70;
	s0 =	simm.s32 @p1 $0x190  }
0xd6: {  	[tilespmem:s1], [sflag:$0x2] =	stream.indirect.gather @p1 [hbm4b:s7+s0], $0x40, s0, s0, $0xb8;
	[tilespmem:$0x1C840] =	vst v63  }
0xd7: {  	s0 =	simm.s32 @p1 $0x4  }
0xd8: {  	_ =	swait.ge @p1 [sflag:s0], $0x6400  }
0xd9: {  	s1 =	sadd.s32 @p1 s8, s18;
	[sflag:s0] =	ssyncset.done @p1 $0x0  }
0xda: {  	[sflag:s0] =	ssyncadd.s32 @p1 $0xFFFF9C00;
	s0 =	sshrl.u32 @p1 s1, $0x3  }
0xdb: {  	s12 =	simm.s32 @p1 $0x4B0;
	s1 =	simm.s32 @p1 $0x0;
	s0 =	sadd.s32 @p1 s5, s0  }
0xdc: {  	[tilespmem:s12], [sflag:$0xC] =	stream.linear.gather @p1 [hbm4b:s0+s1], $0x190, $0x38;
	[tilespmem:$0x1C840] =	vst v63  }
0xdd: {  	s0 =	simm.s32 @!p1 $0x4  }
0xde: {  	_ =	swait.ge @!p1 [sflag:s0], $0x6400  }
0xdf: {  	[sflag:s0] =	ssyncset.done @!p1 $0x0  }
0xe0: {  	s1 =	simm.s32 $0x0;
	[sflag:s0] =	ssyncadd.s32 @!p1 $0xFFFF9C00  }
0xe1: {  	v3 =	vld [tilespmem:s1+$0x19640]  }
0xe2: {  	v1 =	vld [tilespmem:s1+$0x19650]  }
0xe3: {  	v0 =	vld [tilespmem:s1+$0x19660]  }
0xe4: {  	v2 =	vld [tilespmem:s1+$0x19670]  }
0xe5: {  	v8 =	vld [tilespmem:s1+$0x13240]  }
0xe6: {  	v10 =	vld [tilespmem:s1+$0x16440]  }
0xe7: {  	v7 =	vld [tilespmem:s1+$0x13250]  }
0xe8: {  	v6 =	vld [tilespmem:s1+$0x16450]  }
0xe9: {  	v4 =	vld [tilespmem:s1+$0x13260]  }
0xea: {  	v5 =	vld [tilespmem:s1+$0x16460];
	v9 =	vadd.f32 v8, v3  }
0xeb: {  	s0 =	simm.s32 $0x100;
	v8 =	vadd.f32 v10, v3;
	v3 =	vld [tilespmem:s1+$0x13270]  }
.LBB2_13:
0xec: {  	s12 =	sshra.s32 s0, $0x2;
	p1 =	sne.s32 s0, $0xC700;
	[tilespmem:s1+$0x13240] =	vst v9;
	v7 =	vadd.f32 v7, v1;
	v9 =	vld [tilespmem:s1+$0x16470]  }
0xed: {  	v10 =	vld [tilespmem:s12+$0x19640];
	[tilespmem:s1+$0x16440] =	vst v8;
	v6 =	vadd.f32 v6, v1  }
0xee: {  	v1 =	vld [tilespmem:s12+$0x19650];
	[tilespmem:s1+$0x13250] =	vst v7;
	v4 =	vadd.f32 v4, v0  }
0xef: {  	[tilespmem:s1+$0x16450] =	vst v6;
	v5 =	vadd.f32 v5, v0;
	v0 =	vld [tilespmem:s12+$0x19660]  }
0xf0: {  	v8 =	vld [tilespmem:s12+$0x19670];
	[tilespmem:s1+$0x13260] =	vst v4;
	v3 =	vadd.f32 v3, v2  }
0xf1: {  	v11 =	vld [tilespmem:s12+$0x13240];
	[tilespmem:s1+$0x16460] =	vst v5;
	v2 =	vadd.f32 v9, v2  }
0xf2: {  	v12 =	vld [tilespmem:s12+$0x16440];
	[tilespmem:s1+$0x13270] =	vst v3  }
.Ltmp8:
0xf3: {  	v7 =	vld [tilespmem:s12+$0x13250];
	[tilespmem:s1+$0x16470] =	vst v2;
	s1 =	smov.u32 s12;
	(pc) =	sbr.rel @p1 .LBB2_13-.Ltmp8, $4  }
0xf4: {  	v6 =	vld [tilespmem:s1+$0x16450]  }
0xf5: {  	v4 =	vld [tilespmem:s1+$0x13260];
	v2 =	vmov v8  }
0xf6: {  	v9 =	vadd.f32 v11, v10;
	v5 =	vld [tilespmem:s1+$0x16460]  }
0xf7: {  	s0 =	sadd.s32 $0x100, s0;
	v8 =	vadd.f32 v12, v10;
	v3 =	vld [tilespmem:s1+$0x13270]  }
0xf8: {  	[tilespmem:s1+$0x13240] =	vst v9;
	v7 =	vadd.f32 v7, v1;
	v59 =	vld [tilespmem:s1+$0x16470]  }
0xf9: {  	[tilespmem:s1+$0x16440] =	vst v8;
	v60 =	vadd.f32 v6, v1  }
0xfa: {  	[tilespmem:s1+$0x13250] =	vst v7;
	v4 =	vadd.f32 v4, v0  }
0xfb: {  	[tilespmem:s1+$0x16450] =	vst v60;
	v61 =	vadd.f32 v5, v0  }
.Ltmp9:
0xfc: {  	s0 =	sadd.s32 s8, s9;
	[tilespmem:s1+$0x13260] =	vst v4;
	v62 =	vadd.f32 v3, v2;
	(pc) =	sbr.rel @p0 .LBB2_16-.Ltmp9, $4  }
0xfd: {  	s0 =	sshll.u32 s0, $0x3;
	[tilespmem:s1+$0x16460] =	vst v61;
	v63 =	vadd.f32 v59, v2  }
0xfe: {  	s0 =	sand.u32 $0x1FFFFF80, s0;
	[tilespmem:s1+$0x13270] =	vst v62  }
0xff: {  	s0 =	sadd.s32 s2, s0;
	[tilespmem:s1+$0x16470] =	vst v63  }
0x100: {  	[hbm4b:s0+s3] =	stream.linear.scatter [tilespmem:s29], [sflag:$0x8], $0x6400, $0x38;
	[tilespmem:$0x1C840] =	vst v63  }
0x101: {  	_ =	swait.ge [sflag:s20], $0x6400  }
0x102: {  	[sflag:s20] =	ssyncset.done $0x0  }
.Ltmp10:
0x103: {  	[sflag:s20] =	ssyncadd.s32 $0xFFFF9C00;
	(pc) =	sbr.rel .LBB2_2-.Ltmp10, $4  }
0x104: {  	_ =	swait.ge [sflag:s10], $0x190  }
0x105: {  	[sflag:s10] =	ssyncset.done $0x0  }
0x106: {  	s19 =	sadd.s32 $0x1, s19;
	[sflag:s10] =	ssyncadd.s32 $0xFFFFFE70  }
0x107: {  	[tilespmem:s26], [sflag:$0x3] =	stream.indirect.gather [hbm4b:s7+s22], $0x40, s25, s22, $0xb8;
	[tilespmem:$0x1C840] =	vst v63  }
.LBB2_17:
0x108: {  	_ =	sfence.sel $0x180000  }
0x109: {  	[bflag:$0x0] =	sbarrier.arrive $0xFFFF  }
0x10a: {  	_ =	strace $0x90000047  }
0x10b: {  	s0 =	stileid.u32;
	[bflag:$0x2] =	sbarrier.arrive $0xFFFF  }
0x10c: {  	p0 =	sne.s32 s0, $0x0;
	s0 =	rddreg [dreg:$0x2]  }
0x10d: {  	s0 =	sadd.s32 @!p0 $0x100000, s0  }
0x10e: {  	[sflag:s0] =	ssyncadd.tile.s32 @!p0 $0x1;
	_ =	shalt  }
.Lfunc_end2:
_tile_overlayer_lowered:
.L_overlay_start_2:
0x10f: {  	(tag) =	ssettag $0x2  }
0x110: {  	s0 =	rddreg [dreg:$0x0];
	s2 =	stileid.u32  }
0x111: {  	s1 =	rddreg [dreg:$0x1];
	p0 =	sne.s32 s2, $0x0  }
0x112: {  	s3 =	rddreg [dreg:$0x2];
	[bflag:$0x3] =	sbarrier.arrive $0xFFFF;
	s2 =	simm.s32 @!p0 $0x1C0D  }
0x113: {  	[timem:s3], [sflag:s2] =	dma.local @!p0 [hbm:s0], s1  }
0x114: {  	s0 =	simm.s32 @!p0 $0xD  }
0x115: {  	_ =	swait.ge @!p0 [sflag:s0], s1  }
0x116: {  	s1 =	ssub.s32 @!p0 $0x0, s1;
	[sflag:s0] =	ssyncset.done @!p0 $0x0  }
0x117: {  	[sflag:s0] =	ssyncadd.s32 @!p0 s1  }
0x118: {  	[bflag:$0x3] =	sbarrier.arrive $0xFFFF  }
0x119: {  	_ =	shalt  }

// kernel: sparse-core-data-format-call.cloned.1.call-start
scs
called_computation_lowered:
.L_overlay_start_0:
0x0: {  	s2 =	sld [smem:$0x3FD9]  }
0x1: {  	s3 =	sld [smem:$0x3FFE];
	_ =	sdelay $0x1  }
0x2: {  	s1 =	srdreg.scid  }
0x3: {  	s0 =	sand.u32 $0x1, s1  }
0x4: {  	s18 =	sshll.u32 s0, $0xA;
	s2 =	sadd.s32 s3, s2  }
0x5: {  	s2 =	sadd.s32 s2, s18  }
0x6: {  	[smem:$0x3FC5] =	sst s2  }
0x7: {  	_ = 	snop  }
0x8: {  	s2 =	sld [smem:$0x3FD0];
	(tm) =	ssettm $0x1  }
0x9: {  	s19 =	sld [smem:$0x3FFB];
	_ =	sdelay $0x3  }
0xa: {  	_ =	strace s19  }
0xb: {  	s3 =	sld [smem:$0x3FFC];
	_ =	sdelay $0x3  }
0xc: {  	_ =	strace s3  }
0xd: {  	s3 =	sld [smem:$0x3FFD];
	_ =	sdelay $0x3  }
0xe: {  	_ =	strace s3  }
0xf: {  	_ =	strace $0x8FFFFFFF  }
0x10: {  	s20 =	sld [smem:$0x3FDB];
	_ =	sdelay $0x1  }
0x11: {  	s4 =	simm.s32 $_scs_section_size  }
0x12: {  	s5 =	simm.s32 $_size__tile_overlayer_lowered;
	s6 =	simm.s32 $_tile_overlayer_lowered  }
0x13: {  	s23 =	simm.s32 $0x1BFF;
	s22 =	sshll.u32 s6, $0x1;
	s3 =	sadd.s32 s4, s20  }
0x14: {  	s7 =	simm.s32 $0x0;
	s21 =	sshll.u32 s5, $0x1;
	s5 =	sadd.s32 s22, s3  }
0x15: {  	[timem:s7], [sflag:s23] =	dma.local [hbm:s5], s21  }
0x16: {  	_ =	swait.ge [sflag:s23], s21  }
0x17: {  	s4 =	ssub.s32 $0x0, s21;
	[sflag:s23] =	ssyncset.done $0x0  }
0x18: {  	[sflag:s23] =	ssyncadd.s32 s4;
	_ =	sdelay $0x1  }
0x19: {  	s24 =	simm.s32 $0x1B8B  }
0x1a: {  	_ =	swait.ge [sflag:s24], $0x1  }
0x1b: {  	[sflag:s24] =	ssyncset.done $0x0  }
0x1c: {  	s26 =	simm.s32 $0x1B8E;
	s25 =	sld [smem:$0x3FFE];
	[sflag:s24] =	ssyncadd.s32 $0xFFFFFFFF  }
0x1d: {  	s27 =	simm.s32 $execute0_lowered;
	[smem:$0x3FD2] =	sst s26  }
0x1e: {  	s5 =	sshll.u32 s27, $0x1;
	_ =	strace $0x80000049;
	[dreg:$0x1] =	wrdreg $0xFFFFFFFF  }
0x1f: {  	s28 =	simm.s32 $_size_execute0_lowered;
	s3 =	sadd.s32 s3, s5;
	[dreg:$0x0] =	wrdreg $0x0  }
0x20: {  	s5 =	sshll.u32 s28, $0x1;
	[dreg:$0x2] =	wrdreg s3  }
0x21: {  	[dreg:$0x3] =	wrdreg s5  }
0x22: {  	[dreg:$0x4] =	wrdreg $0xC0  }
0x23: {  	_ =	task [dreg:s7], $0x5FFFF  }
0x24: {  	[dreg:$0x1] =	wrdreg $0xFFFFFFFF  }
0x25: {  	[dreg:$0x0] =	wrdreg $0x60  }
0x26: {  	[dreg:$0x2] =	wrdreg s25  }
0x27: {  	[dreg:$0x3] =	wrdreg s2  }
0x28: {  	[dreg:$0x4] =	wrdreg $0x9  }
0x29: {  	_ =	task.clear_ibuf [dreg:s7], $0x5FFFF;
	_ =	strace $0x90000049  }
0x2a: {  	s29 =	simm.s32 $0x9;
	_ =	strace $0x8000004B  }
0x2b: {  	_ =	swait.ge [sflag:s29], $0x1  }
0x2c: {  	[sflag:s29] =	ssyncadd.s32 $0xFFFFFFFF  }
0x2d: {  	_ =	strace $0x9000004B  }
0x2e: {  	_ =	sfence  }
0x2f: {  	s30 =	sld [smem:$0x0];
	_ =	sdelay $0x2  }
0x30: {  	s31 =	sshll.u32 s1, $0xD;
	s1 =	sshrl.u32 s1, $0x2  }
0x31: {  	s3 =	sand.u32 $0x4000, s31;
	s1 =	sadd.s32 s1, s30  }
0x32: {  	s0 =	sor.u32 s3, s0;
	s1 =	sshll.u32 s1, $0x11  }
0x33: {  	s0 =	sor.u32 s1, s0  }
0x34: {  	s0 =	sadd.s32 $0x8F2B, s0  }
0x35: {  	[sflag:s0] =	ssyncadd.remote.s32 $0x1  }
0x36: {  	_ =	sfence.sel $0xFFFF  }
0x37: {  	[dreg:$0x0] =	wrdreg $0xFFFFFFFF;
	(pc) =	sbr.abs _section_cstart, $3  }
0x38: {  	[dreg:$0x1] =	wrdreg $0xFFFFFFFF  }
0x39: {  	_ =	task.clear_ibuf [dreg:s7], $0x2FFFF;
	_ =	strace $0x9FFFFFFF  }
0x3a: {  	(tm) =	ssettm $0x7FFFFFFF  }
0x3b: {  	_ =	shalt  }
tec
execute0_lowered:
.L_overlay_start_1:
0x0: {  	(tag) =	ssettag $0x1  }
0x1: {  	s0 =	srdreg.scid  }
0x2: {  	s1 =	sshll.u32 s0, $0x4  }
0x3: {  	s0 =	stileid.u32;
	s1 =	sand.u32 $0x10, s1  }
0x4: {  	s1 =	sor.u32 s0, s1  }
0x5: {  	s6 =	rddreg [dreg:$0x0];
	s4 =	simm.s32 $0x1;
	s2 =	sshll.u32 s1, $0x7  }
0x6: {  	s7 =	simm.s32 $0x2;
	s12 =	simm.s32 $0x0;
	s1 =	ssub.s32 $0x1000, s2  }
0x7: {  	s8 =	simm.s32 $0x8000;
	s13 =	simm.s32 $0x0;
	s3 =	sand.u32 $0xF80, s1  }
0x8: {  	s9 =	simm.s32 $0x0;
	s5 =	sshrl.u32 s1, $0xC;
	p0 =	sne.s32 s3, $0x0  }
.Ltmp0:
0x9: {  	s1 =	rddreg [dreg:$0x2];
	s4 =	simm.s32 @!p0 $0x0;
	(pc) =	sbr.rel .LBB1_1-.Ltmp0, $4  }
0xa: {  	s11 =	simm.s32 $0x0;
	s3 =	rddreg [dreg:$0x1];
	s5 =	sadd.s32 s4, s5  }
0xb: {  	_ =	strace $0x8000004A;
	s4 =	simm.s32 $0x1;
	s5 =	smul.u32 $0xC8, s5  }
0xc: {  	s6 =	sadd.s32 $0xC00, s6;
	s10 =	smov.u32 s2;
	[sflag:s4] =	ssyncpa.u1 $0x0  }
0xd: {  	p0 =	por $0x0, $0x0;
	[sflag:s7] =	ssyncpa.u1 $0x0;
	s7 =	sor.u32 $0x1, s5  }
.LBB1_4:
0xe: {  	s16 =	sshll.u32 s13, $0x3;
	s17 =	sand.u32 $0x78, s13  }
0xf: {  	s30 =	sand.u32 $0x7E00, s13;
	s12 =	sshll.u32 s12, $0xF;
	s16 =	sand.u32 $0xC00, s16  }
0x10: {  	[tilespmem:s15+$0x810 ss:$0x81] =	vst.msk $0xffff, v2;
	s31 =	sand.u32 $0x7, s13;
	s16 =	sor.u32 s17, s16;
	s17 =	sadd.s32 s3, s30  }
0x11: {  	[tilespmem:s15+$0x1020 ss:$0x81] =	vst.msk $0xffff, v0;
	s13 =	sshll.u32 s31, $0x12;
	s12 =	sadd.s32 s12, s17;
	s16 =	sshrl.u32 s16, $0x3  }
0x12: {  	[tilespmem:s15+$0x0 ss:$0x81] =	vst.msk $0xffff, v1;
	s13 =	sor.u32 $0x400, s13;
	s12 =	sadd.s32 s16, s12  }
0x13: {  	[hbm4b:s12+s13] =	stream.strided.scatter [tilespmem:s14], [sflag:$0x2], $0x2000, s8, s13, $0x20;
	[tilespmem:$0x8080] =	vst v63  }
.LBB1_5:
0x14: {  	s14 =	sadd.s32 $0x1, s9  }
0x15: {  	s12 =	sadd.s32 $0x1000, s10;
	s16 =	smov.u32 s10;
	p2 =	sgt.s32 s14, $0xC7  }
0x16: {  	s16 =	smov.u32 @p2 s12  }
0x17: {  	s14 =	simm.s32 @p2 $0x0;
	p2 =	sgt.s32 s16, $0xFFF  }
0x18: {  	s16 =	smov.u32 @p2 s2;
	p2 =	sne.s32 s11, s7  }
.Ltmp1:
0x19: {  	p1 =	slt.u32 s11, $0x2;
	(pc) =	sbr.rel @!p2 .LBB1_6-.Ltmp1, $4  }
0x1a: {  	s15 =	simm.s32 @!p1 $0x2  }
0x1b: {  	s13 =	smov.u32 s10;
	p0 =	por !p0, !p0;
	_ =	swait.ge @!p1 [sflag:s15], $0x2000  }
0x1c: {  	s12 =	smov.u32 s9;
	[sflag:s15] =	ssyncset.done @!p1 $0x0;
	s9 =	smov.u32 s14  }
0x1d: {  	s11 =	sadd.s32 $0x1, s11;
	[sflag:s15] =	ssyncadd.s32 @!p1 $0xFFFFE000;
	s10 =	smov.u32 s16  }
.LBB1_1:
0x1e: {  	p1 =	sge.u32 s11, s5  }
0x1f: {  	s14 =	sand.u32 @!p1 $0x1FFFFFF, s9  }
0x20: {  	s15 =	smulhi.u32 @!p1 $0x147AE15, s14;
	_ =	sdelay $0x1  }
0x21: {  	s15 =	smul.u32 @!p1 $0xC8, s15  }
0x22: {  	s16 =	sxor.u32 @!p1 $0xFFFFFFFF, s11;
	s17 =	smul.u32 @!p1 $0xC80, s10  }
0x23: {  	s31 =	sadd.s32 $0xFFFFFFFF, s11;
	s16 =	sshll.u32 @!p1 s16, $0xD;
	s14 =	ssub.s32 @!p1 s14, s15  }
0x24: {  	s15 =	sand.u32 @!p1 $0x2000, s16;
	s16 =	sadd.s32 @!p1 s6, s17;
	s14 =	sshll.u32 @!p1 s14, $0x4  }
0x25: {  	s17 =	simm.s32 @!p1 $0x6400;
	s14 =	sadd.s32 @!p1 s14, s16;
	s16 =	simm.s32 @!p1 $0x40  }
0x26: {  	[tilespmem:s15], [sflag:$0x1] =	stream.strided.gather @!p1 [hbm4b:s14+s16], $0x2000, s17, s16, $0x38;
	[tilespmem:$0x8080] =	vst v63  }
0x27: {  	p1 =	sge.u32 s31, s5  }
.Ltmp2:
0x28: {  	_ = 	snop;
	(pc) =	sbr.rel @p1 .LBB1_5-.Ltmp2, $1  }
0x29: {  	_ =	sdelay $0x3  }
0x2a: {  	s14 =	simm.s32 $0x1  }
0x2b: {  	_ =	swait.ge [sflag:s4], $0x2000;
	s14 =	simm.s32 @!p0 $0x0  }
0x2c: {  	[sflag:s4] =	ssyncset.done $0x0;
	s15 =	sshll.u32 s14, $0xD  }
0x2d: {  	[sflag:s4] =	ssyncadd.s32 $0xFFFFE000;
	s18 =	sor.u32 $0x20, s15  }
0x2e: {  	s14 =	smul.u32 $0x8100, s14;
	v3 =	vld [tilespmem:s18+$0x10]  }
0x2f: {  	s30 =	sand.u32 $0x1, s11;
	v2 =	vld [tilespmem:s18+$0xFFFFFFF0]  }
0x30: {  	s15 =	smul.u32 $0x8100, s30;
	s14 =	sshrl.u32 s14, $0x2;
	v0 =	vld [tilespmem:s18+$0x0]  }
0x31: {  	v1 =	vld [tilespmem:s18+$0xFFFFFFE0];
	s16 =	sor.u32 $0x4000, s14  }
0x32: {  	s31 =	sshrl.u32 s15, $0x2;
	s15 =	sadd.s32 $0x0, s16  }
0x33: {  	s17 =	simm.s32 $0x4;
	s18 =	sadd.s32 $0x40, s18;
	s14 =	sor.u32 $0x4000, s31;
	[tilespmem:s15+$0x1830 ss:$0x81] =	vst.msk $0xffff, v3  }
.LBB1_3:
0x34: {  	v3 =	vld [tilespmem:s18+$0x10];
	p1 =	sne.s32 s17, $0x1FC;
	[tilespmem:s15+$0x810 ss:$0x81] =	vst.msk $0xffff, v2;
	s19 =	smov.u32 s17;
	s17 =	sadd.s32 $0x4, s17  }
.Ltmp3:
0x35: {  	v2 =	vld [tilespmem:s18+$0xFFFFFFF0];
	[tilespmem:s15+$0x1020 ss:$0x81] =	vst.msk $0xffff, v0;
	(pc) =	sbr.rel @p1 .LBB1_3-.Ltmp3, $4  }
0x36: {  	v0 =	vld [tilespmem:s18+$0x0];
	[tilespmem:s15+$0x0 ss:$0x81] =	vst.msk $0xffff, v1  }
0x37: {  	s15 =	sshra.s32 s19, $0x2;
	v1 =	vld [tilespmem:s18+$0xFFFFFFE0]  }
0x38: {  	s15 =	sadd.s32 s15, s16  }
0x39: {  	s18 =	sadd.s32 $0x40, s18;
	[tilespmem:s15+$0x1830 ss:$0x81] =	vst.msk $0xffff, v3  }
.Ltmp4:
0x3a: {  	_ = 	snop;
	(pc) =	sbr.rel .LBB1_4-.Ltmp4, $1  }
0x3b: {  	_ =	sdelay $0x3  }
.LBB1_6:
0x3c: {  	_ =	sfence.sel $0x180000  }
0x3d: {  	s2 =	simm.s32 $0x1;
	[bflag:$0x0] =	sbarrier.arrive $0xFFFF  }
0x3e: {  	s31 =	simm.s32 $0x2;
	[sflag:s2] =	ssyncpa.u1 $0x1  }
0x3f: {  	[sflag:s31] =	ssyncpa.u1 $0x1  }
0x40: {  	p0 =	sne.s32 s0, $0x0;
	_ =	strace $0x9000004A  }
0x41: {  	s0 =	sadd.s32 @!p0 $0x100000, s1;
	[bflag:$0x2] =	sbarrier.arrive $0xFFFF  }
0x42: {  	[sflag:s0] =	ssyncadd.tile.s32 @!p0 $0x1;
	_ =	shalt  }
.Lfunc_end1:
_tile_overlayer_lowered:
.L_overlay_start_2:
0x43: {  	(tag) =	ssettag $0x2  }
0x44: {  	s0 =	rddreg [dreg:$0x0];
	s2 =	stileid.u32  }
0x45: {  	s1 =	rddreg [dreg:$0x1];
	p0 =	sne.s32 s2, $0x0  }
0x46: {  	s3 =	rddreg [dreg:$0x2];
	[bflag:$0x3] =	sbarrier.arrive $0xFFFF;
	s2 =	simm.s32 @!p0 $0x1C01  }
0x47: {  	[timem:s3], [sflag:s2] =	dma.local @!p0 [hbm:s0], s1  }
0x48: {  	s0 =	simm.s32 @!p0 $0x1  }
0x49: {  	_ =	swait.ge @!p0 [sflag:s0], s1  }
0x4a: {  	s1 =	ssub.s32 @!p0 $0x0, s1;
	[sflag:s0] =	ssyncset.done @!p0 $0x0  }
0x4b: {  	[sflag:s0] =	ssyncadd.s32 @!p0 s1  }
0x4c: {  	[bflag:$0x3] =	sbarrier.arrive $0xFFFF  }
0x4d: {  	_ =	shalt  }

</sc_bundles>
